<compile_context>
chip_gen: v7x
topology: tpu7x:2x2x1
jax: 0.10.2.dev20260603
libtpu: 0.0.44.dev20260713+nightly
codegen_flags: <defaults>
</compile_context>

<pallas_src>
import functools

import jax
import jax.numpy as jnp
from jax import lax
from jax.experimental import pallas as pl
from jax.experimental.pallas import tpu as pltpu
from jax.experimental.pallas import tpu_sc as plsc

_MAX_POS = 8192
_HIDDEN = 1024
_BATCH = 4
_SEQ = 8192
_N = _BATCH * _SEQ

_INFO = plsc.get_sparse_core_info()
_NC = _INFO.num_cores
_NS = _INFO.num_subcores
_NW = _NC * _NS
_PER_W = _N // _NW

_CH = 8
_NCH = _PER_W // _CH
_NBUF = 8
_NROUND = _NCH // _NBUF

_mesh = plsc.VectorSubcoreMesh(core_axis_name="c", subcore_axis_name="s")


@functools.partial(
    pl.kernel,
    mesh=_mesh,
    out_type=jax.ShapeDtypeStruct((_N, _HIDDEN), jnp.float32),
    scratch_types=(
        [pltpu.VMEM((_PER_W,), jnp.int32)]
        + [pltpu.VMEM((_CH, _HIDDEN), jnp.float32)] * _NBUF
        + [pltpu.SemaphoreType.DMA] * (2 * _NBUF)
    ),
)
def _gather_rows(idx_hbm, table_hbm, out_hbm, idx_v, *rest):
    bufs = rest[:_NBUF]
    gsem = rest[_NBUF:2 * _NBUF]
    osem = rest[2 * _NBUF:]

    wid = lax.axis_index("s") * _NC + lax.axis_index("c")
    base = wid * _PER_W
    pltpu.sync_copy(idx_hbm.at[pl.ds(base, _PER_W)], idx_v)

    def fire_gather(j, b):
        pltpu.async_copy(
            table_hbm.at[idx_v.at[pl.ds(j * _CH, _CH)]], bufs[b], gsem[b])

    def wait_gather(b):
        pltpu.make_async_copy(
            table_hbm.at[pl.ds(0, _CH)], bufs[b], gsem[b]).wait()

    def fire_put(j, b):
        pltpu.async_copy(
            bufs[b], out_hbm.at[pl.ds(base + j * _CH, _CH)], osem[b])

    def wait_put(b):
        pltpu.make_async_copy(
            bufs[b], out_hbm.at[pl.ds(base, _CH)], osem[b]).wait()

    for b in range(_NBUF - 1):
        fire_gather(b, b)

    wait_gather(0)
    fire_put(0, 0)
    fire_gather(_NBUF - 1, _NBUF - 1)
    for b in range(1, _NBUF):
        wait_gather(b)
        fire_put(b, b)
        bn = (b + _NBUF - 1) % _NBUF
        wait_put(bn)
        fire_gather(b + _NBUF - 1, bn)

    def round_body(r, _):
        for b in range(_NBUF):
            j = r * _NBUF + b
            wait_gather(b)
            fire_put(j, b)
            bn = (b + _NBUF - 1) % _NBUF
            wait_put(bn)
            fire_gather(j + _NBUF - 1, bn)
        return 0

    lax.fori_loop(1, _NROUND - 1, round_body, 0)

    wait_gather(0)
    fire_put((_NROUND - 1) * _NBUF, 0)
    wait_put(_NBUF - 1)
    fire_gather(_NCH - 1, _NBUF - 1)
    for b in range(1, _NBUF):
        j = (_NROUND - 1) * _NBUF + b
        wait_gather(b)
        fire_put(j, b)
    for b in range(_NBUF):
        wait_put(b)


def kernel(position_ids, embedding_weight):
    idx = position_ids.reshape(_N).astype(jnp.int32)
    out = _gather_rows(idx, embedding_weight)
    return out.reshape(_BATCH, _SEQ, _HIDDEN)

# --- scband reference (transcript-rebuilt; emitter-appended) ---
"""Pipeline reference for scband-positional-embedding-45457933861013 (READ-ONLY COPY).

The authoritative reference and input builder live on the scoring server;
editing this copy changes nothing except your own understanding.
"""

import jax, jax.numpy as jnp
import numpy as np

MAX_POS = 8192
HIDDEN = 1024
BATCH = 4
SEQ = 8192

def setup_inputs(seed: int = 0) -> dict:
    key = jax.random.key(seed)
    k_idx, k_w = jax.random.split(key)
    position_ids = jax.random.randint(k_idx, (BATCH, SEQ), 0, MAX_POS, dtype=jnp.int64 if jax.config.jax_enable_x64 else jnp.int32)
    embedding_weight = jax.random.normal(k_w, (MAX_POS, HIDDEN), dtype=jnp.float32) * 0.02
    return {"position_ids": position_ids, "embedding_weight": embedding_weight}

def reference(position_ids, embedding_weight):
    # nn.Embedding lookup: table[idx]
    position_embeddings = jnp.take(embedding_weight, position_ids, axis=0)
    # Dropout is identity in eval/inference mode (deterministic reference)
    return position_embeddings

if __name__ == "__main__":
    import jax
    _d = setup_inputs()
    print(jax.jit(kernel)(*tuple(_d.values())))

</pallas_src>

<mosaic_0001>
#map = affine_map<(d0, d1) -> (0)>
#map1 = affine_map<(d0, d1) -> (0, 0)>
module attributes {stable_mosaic.version = 14 : i64} {
  func.func @_gather_rows(%arg0: i32, %arg1: i32, %arg2: memref<32768xi32, #tpu.memory_space<hbm>>, %arg3: memref<8192x1024xf32, #tpu.memory_space<hbm>>, %arg4: memref<32768x1024xf32, #tpu.memory_space<hbm>>, %arg5: memref<1024xi32, #tpu.memory_space<vmem>>, %arg6: memref<8x1024xf32, #tpu.memory_space<vmem>>, %arg7: memref<8x1024xf32, #tpu.memory_space<vmem>>, %arg8: memref<8x1024xf32, #tpu.memory_space<vmem>>, %arg9: memref<8x1024xf32, #tpu.memory_space<vmem>>, %arg10: memref<8x1024xf32, #tpu.memory_space<vmem>>, %arg11: memref<8x1024xf32, #tpu.memory_space<vmem>>, %arg12: memref<8x1024xf32, #tpu.memory_space<vmem>>, %arg13: memref<8x1024xf32, #tpu.memory_space<vmem>>, %arg14: memref<!tpu.dma_semaphore, #tpu.memory_space<semaphore_mem>>, %arg15: memref<!tpu.dma_semaphore, #tpu.memory_space<semaphore_mem>>, %arg16: memref<!tpu.dma_semaphore, #tpu.memory_space<semaphore_mem>>, %arg17: memref<!tpu.dma_semaphore, #tpu.memory_space<semaphore_mem>>, %arg18: memref<!tpu.dma_semaphore, #tpu.memory_space<semaphore_mem>>, %arg19: memref<!tpu.dma_semaphore, #tpu.memory_space<semaphore_mem>>, %arg20: memref<!tpu.dma_semaphore, #tpu.memory_space<semaphore_mem>>, %arg21: memref<!tpu.dma_semaphore, #tpu.memory_space<semaphore_mem>>, %arg22: memref<!tpu.dma_semaphore, #tpu.memory_space<semaphore_mem>>, %arg23: memref<!tpu.dma_semaphore, #tpu.memory_space<semaphore_mem>>, %arg24: memref<!tpu.dma_semaphore, #tpu.memory_space<semaphore_mem>>, %arg25: memref<!tpu.dma_semaphore, #tpu.memory_space<semaphore_mem>>, %arg26: memref<!tpu.dma_semaphore, #tpu.memory_space<semaphore_mem>>, %arg27: memref<!tpu.dma_semaphore, #tpu.memory_space<semaphore_mem>>, %arg28: memref<!tpu.dma_semaphore, #tpu.memory_space<semaphore_mem>>, %arg29: memref<!tpu.dma_semaphore, #tpu.memory_space<semaphore_mem>>) attributes {dimension_semantics = [#tpu.dimension_semantics<core_parallel>, #tpu.dimension_semantics<subcore_parallel>], iteration_bounds = array<i64: 2, 16>, scalar_prefetch = 0 : i64, scratch_operands = 25 : i64, tpu.core_type = #tpu.core_type<sc_vector_subcore>, window_params = [{transform_indices = #map}, {transform_indices = #map1}, {transform_indices = #map1}]} {
    %mul3A = arith.constant 2 : i32
    %mul3A_0 = arith.muli %arg1, %mul3A : i32
    %add3A = arith.addi %mul3A_0, %arg0 : i32
    %mul3A_1 = arith.constant 1024 : i32
    %mul3A_2 = arith.muli %add3A, %mul3A_1 : i32
    "tpu.region"() ({
      %run_scoped3A = tpu.sem_alloc : memref<!tpu.dma_semaphore, #tpu.memory_space<semaphore_mem>>
      %dma_start3A_343 = tpu.memref_slice %arg2[%mul3A_2] : memref<32768xi32, #tpu.memory_space<hbm>> -> memref<1024xi32, #tpu.memory_space<hbm>>
      %dma_start3A_344 = tpu.memref_slice %arg2[%mul3A_2] : memref<32768xi32, #tpu.memory_space<hbm>> -> memref<1024xi32, #tpu.memory_space<hbm>>
      tpu.enqueue_dma source(%dma_start3A_344 : memref<1024xi32, #tpu.memory_space<hbm>>) target(%arg5 : memref<1024xi32, #tpu.memory_space<vmem>>) target_semaphore(%run_scoped3A : memref<!tpu.dma_semaphore, #tpu.memory_space<semaphore_mem>>)
      %dma_wait3A_345 = tpu.memref_slice %arg2[%mul3A_2] : memref<32768xi32, #tpu.memory_space<hbm>> -> memref<1024xi32, #tpu.memory_space<hbm>>
      %dma_wait3A_346 = tpu.memref_slice %arg2[%mul3A_2] : memref<32768xi32, #tpu.memory_space<hbm>> -> memref<1024xi32, #tpu.memory_space<hbm>>
      tpu.wait_dma2 semaphore(%run_scoped3A : memref<!tpu.dma_semaphore, #tpu.memory_space<semaphore_mem>>) src(%dma_wait3A_346 : memref<1024xi32, #tpu.memory_space<hbm>>) dst(%arg5 : memref<1024xi32, #tpu.memory_space<vmem>>)
      tpu.yield
    }) : () -> ()
    %dma_start3A = arith.constant 0 : i32
    %dma_start3A_3 = tpu.memref_slice %arg5[%dma_start3A] : memref<1024xi32, #tpu.memory_space<vmem>> -> memref<8xi32, #tpu.memory_space<vmem>>
    %dma_start3A_4 = arith.constant 0 : i32
    %dma_start3A_5 = arith.constant 0 : i32
    %dma_start3A_6 = tpu.memref_slice %arg3[%dma_start3A_4, %dma_start3A_5] : memref<8192x1024xf32, #tpu.memory_space<hbm>> -> memref<8192x1024xf32, #tpu.memory_space<hbm>>
    tpu.enqueue_indirect_dma source(%dma_start3A_6 : memref<8192x1024xf32, #tpu.memory_space<hbm>>) target(%arg6 : memref<8x1024xf32, #tpu.memory_space<vmem>>) offsets(%dma_start3A_3 : memref<8xi32, #tpu.memory_space<vmem>>) semaphore(%arg14 : memref<!tpu.dma_semaphore, #tpu.memory_space<semaphore_mem>>)
    %dma_start3A_7 = arith.constant 8 : i32
    %dma_start3A_8 = tpu.memref_slice %arg5[%dma_start3A_7] : memref<1024xi32, #tpu.memory_space<vmem>> -> memref<8xi32, #tpu.memory_space<vmem>>
    %dma_start3A_9 = arith.constant 0 : i32
    %dma_start3A_10 = arith.constant 0 : i32
    %dma_start3A_11 = tpu.memref_slice %arg3[%dma_start3A_9, %dma_start3A_10] : memref<8192x1024xf32, #tpu.memory_space<hbm>> -> memref<8192x1024xf32, #tpu.memory_space<hbm>>
    tpu.enqueue_indirect_dma source(%dma_start3A_11 : memref<8192x1024xf32, #tpu.memory_space<hbm>>) target(%arg7 : memref<8x1024xf32, #tpu.memory_space<vmem>>) offsets(%dma_start3A_8 : memref<8xi32, #tpu.memory_space<vmem>>) semaphore(%arg15 : memref<!tpu.dma_semaphore, #tpu.memory_space<semaphore_mem>>)
    %dma_start3A_12 = arith.constant 16 : i32
    %dma_start3A_13 = tpu.memref_slice %arg5[%dma_start3A_12] : memref<1024xi32, #tpu.memory_space<vmem>> -> memref<8xi32, #tpu.memory_space<vmem>>
    %dma_start3A_14 = arith.constant 0 : i32
    %dma_start3A_15 = arith.constant 0 : i32
    %dma_start3A_16 = tpu.memref_slice %arg3[%dma_start3A_14, %dma_start3A_15] : memref<8192x1024xf32, #tpu.memory_space<hbm>> -> memref<8192x1024xf32, #tpu.memory_space<hbm>>
    tpu.enqueue_indirect_dma source(%dma_start3A_16 : memref<8192x1024xf32, #tpu.memory_space<hbm>>) target(%arg8 : memref<8x1024xf32, #tpu.memory_space<vmem>>) offsets(%dma_start3A_13 : memref<8xi32, #tpu.memory_space<vmem>>) semaphore(%arg16 : memref<!tpu.dma_semaphore, #tpu.memory_space<semaphore_mem>>)
    %dma_start3A_17 = arith.constant 24 : i32
    %dma_start3A_18 = tpu.memref_slice %arg5[%dma_start3A_17] : memref<1024xi32, #tpu.memory_space<vmem>> -> memref<8xi32, #tpu.memory_space<vmem>>
    %dma_start3A_19 = arith.constant 0 : i32
    %dma_start3A_20 = arith.constant 0 : i32
    %dma_start3A_21 = tpu.memref_slice %arg3[%dma_start3A_19, %dma_start3A_20] : memref<8192x1024xf32, #tpu.memory_space<hbm>> -> memref<8192x1024xf32, #tpu.memory_space<hbm>>
    tpu.enqueue_indirect_dma source(%dma_start3A_21 : memref<8192x1024xf32, #tpu.memory_space<hbm>>) target(%arg9 : memref<8x1024xf32, #tpu.memory_space<vmem>>) offsets(%dma_start3A_18 : memref<8xi32, #tpu.memory_space<vmem>>) semaphore(%arg17 : memref<!tpu.dma_semaphore, #tpu.memory_space<semaphore_mem>>)
    %dma_start3A_22 = arith.constant 32 : i32
    %dma_start3A_23 = tpu.memref_slice %arg5[%dma_start3A_22] : memref<1024xi32, #tpu.memory_space<vmem>> -> memref<8xi32, #tpu.memory_space<vmem>>
    %dma_start3A_24 = arith.constant 0 : i32
    %dma_start3A_25 = arith.constant 0 : i32
    %dma_start3A_26 = tpu.memref_slice %arg3[%dma_start3A_24, %dma_start3A_25] : memref<8192x1024xf32, #tpu.memory_space<hbm>> -> memref<8192x1024xf32, #tpu.memory_space<hbm>>
    tpu.enqueue_indirect_dma source(%dma_start3A_26 : memref<8192x1024xf32, #tpu.memory_space<hbm>>) target(%arg10 : memref<8x1024xf32, #tpu.memory_space<vmem>>) offsets(%dma_start3A_23 : memref<8xi32, #tpu.memory_space<vmem>>) semaphore(%arg18 : memref<!tpu.dma_semaphore, #tpu.memory_space<semaphore_mem>>)
    %dma_start3A_27 = arith.constant 40 : i32
    %dma_start3A_28 = tpu.memref_slice %arg5[%dma_start3A_27] : memref<1024xi32, #tpu.memory_space<vmem>> -> memref<8xi32, #tpu.memory_space<vmem>>
    %dma_start3A_29 = arith.constant 0 : i32
    %dma_start3A_30 = arith.constant 0 : i32
    %dma_start3A_31 = tpu.memref_slice %arg3[%dma_start3A_29, %dma_start3A_30] : memref<8192x1024xf32, #tpu.memory_space<hbm>> -> memref<8192x1024xf32, #tpu.memory_space<hbm>>
    tpu.enqueue_indirect_dma source(%dma_start3A_31 : memref<8192x1024xf32, #tpu.memory_space<hbm>>) target(%arg11 : memref<8x1024xf32, #tpu.memory_space<vmem>>) offsets(%dma_start3A_28 : memref<8xi32, #tpu.memory_space<vmem>>) semaphore(%arg19 : memref<!tpu.dma_semaphore, #tpu.memory_space<semaphore_mem>>)
    %dma_start3A_32 = arith.constant 48 : i32
    %dma_start3A_33 = tpu.memref_slice %arg5[%dma_start3A_32] : memref<1024xi32, #tpu.memory_space<vmem>> -> memref<8xi32, #tpu.memory_space<vmem>>
    %dma_start3A_34 = arith.constant 0 : i32
    %dma_start3A_35 = arith.constant 0 : i32
    %dma_start3A_36 = tpu.memref_slice %arg3[%dma_start3A_34, %dma_start3A_35] : memref<8192x1024xf32, #tpu.memory_space<hbm>> -> memref<8192x1024xf32, #tpu.memory_space<hbm>>
    tpu.enqueue_indirect_dma source(%dma_start3A_36 : memref<8192x1024xf32, #tpu.memory_space<hbm>>) target(%arg12 : memref<8x1024xf32, #tpu.memory_space<vmem>>) offsets(%dma_start3A_33 : memref<8xi32, #tpu.memory_space<vmem>>) semaphore(%arg20 : memref<!tpu.dma_semaphore, #tpu.memory_space<semaphore_mem>>)
    %dma_wait3A = arith.constant 0 : i32
    %dma_wait3A_37 = arith.constant 0 : i32
    %dma_wait3A_38 = tpu.memref_slice %arg3[%dma_wait3A, %dma_wait3A_37] : memref<8192x1024xf32, #tpu.memory_space<hbm>> -> memref<8x1024xf32, #tpu.memory_space<hbm>>
    %dma_wait3A_39 = arith.constant 0 : i32
    %dma_wait3A_40 = arith.constant 0 : i32
    %dma_wait3A_41 = tpu.memref_slice %arg3[%dma_wait3A_39, %dma_wait3A_40] : memref<8192x1024xf32, #tpu.memory_space<hbm>> -> memref<8x1024xf32, #tpu.memory_space<hbm>>
    tpu.wait_dma2 semaphore(%arg14 : memref<!tpu.dma_semaphore, #tpu.memory_space<semaphore_mem>>) src(%dma_wait3A_41 : memref<8x1024xf32, #tpu.memory_space<hbm>>) dst(%arg6 : memref<8x1024xf32, #tpu.memory_space<vmem>>)
    %add3A_42 = arith.constant 0 : i32
    %add3A_43 = arith.addi %mul3A_2, %add3A_42 : i32
    %dma_start3A_44 = arith.constant 0 : i32
    %dma_start3A_45 = tpu.memref_slice %arg4[%add3A_43, %dma_start3A_44] : memref<32768x1024xf32, #tpu.memory_space<hbm>> -> memref<8x1024xf32, #tpu.memory_space<hbm>>
    %dma_start3A_46 = arith.constant 0 : i32
    %dma_start3A_47 = tpu.memref_slice %arg4[%add3A_43, %dma_start3A_46] : memref<32768x1024xf32, #tpu.memory_space<hbm>> -> memref<8x1024xf32, #tpu.memory_space<hbm>>
    tpu.enqueue_dma source(%arg6 : memref<8x1024xf32, #tpu.memory_space<vmem>>) target(%dma_start3A_47 : memref<8x1024xf32, #tpu.memory_space<hbm>>) target_semaphore(%arg22 : memref<!tpu.dma_semaphore, #tpu.memory_space<semaphore_mem>>)
    %dma_start3A_48 = arith.constant 56 : i32
    %dma_start3A_49 = tpu.memref_slice %arg5[%dma_start3A_48] : memref<1024xi32, #tpu.memory_space<vmem>> -> memref<8xi32, #tpu.memory_space<vmem>>
    %dma_start3A_50 = arith.constant 0 : i32
    %dma_start3A_51 = arith.constant 0 : i32
    %dma_start3A_52 = tpu.memref_slice %arg3[%dma_start3A_50, %dma_start3A_51] : memref<8192x1024xf32, #tpu.memory_space<hbm>> -> memref<8192x1024xf32, #tpu.memory_space<hbm>>
    tpu.enqueue_indirect_dma source(%dma_start3A_52 : memref<8192x1024xf32, #tpu.memory_space<hbm>>) target(%arg13 : memref<8x1024xf32, #tpu.memory_space<vmem>>) offsets(%dma_start3A_49 : memref<8xi32, #tpu.memory_space<vmem>>) semaphore(%arg21 : memref<!tpu.dma_semaphore, #tpu.memory_space<semaphore_mem>>)
    %dma_wait3A_53 = arith.constant 0 : i32
    %dma_wait3A_54 = arith.constant 0 : i32
    %dma_wait3A_55 = tpu.memref_slice %arg3[%dma_wait3A_53, %dma_wait3A_54] : memref<8192x1024xf32, #tpu.memory_space<hbm>> -> memref<8x1024xf32, #tpu.memory_space<hbm>>
    %dma_wait3A_56 = arith.constant 0 : i32
    %dma_wait3A_57 = arith.constant 0 : i32
    %dma_wait3A_58 = tpu.memref_slice %arg3[%dma_wait3A_56, %dma_wait3A_57] : memref<8192x1024xf32, #tpu.memory_space<hbm>> -> memref<8x1024xf32, #tpu.memory_space<hbm>>
    tpu.wait_dma2 semaphore(%arg15 : memref<!tpu.dma_semaphore, #tpu.memory_space<semaphore_mem>>) src(%dma_wait3A_58 : memref<8x1024xf32, #tpu.memory_space<hbm>>) dst(%arg7 : memref<8x1024xf32, #tpu.memory_space<vmem>>)
    %add3A_59 = arith.constant 8 : i32
    %add3A_60 = arith.addi %mul3A_2, %add3A_59 : i32
    %dma_start3A_61 = arith.constant 0 : i32
    %dma_start3A_62 = tpu.memref_slice %arg4[%add3A_60, %dma_start3A_61] : memref<32768x1024xf32, #tpu.memory_space<hbm>> -> memref<8x1024xf32, #tpu.memory_space<hbm>>
    %dma_start3A_63 = arith.constant 0 : i32
    %dma_start3A_64 = tpu.memref_slice %arg4[%add3A_60, %dma_start3A_63] : memref<32768x1024xf32, #tpu.memory_space<hbm>> -> memref<8x1024xf32, #tpu.memory_space<hbm>>
    tpu.enqueue_dma source(%arg7 : memref<8x1024xf32, #tpu.memory_space<vmem>>) target(%dma_start3A_64 : memref<8x1024xf32, #tpu.memory_space<hbm>>) target_semaphore(%arg23 : memref<!tpu.dma_semaphore, #tpu.memory_space<semaphore_mem>>)
    %dma_wait3A_65 = arith.constant 0 : i32
    %dma_wait3A_66 = tpu.memref_slice %arg4[%mul3A_2, %dma_wait3A_65] : memref<32768x1024xf32, #tpu.memory_space<hbm>> -> memref<8x1024xf32, #tpu.memory_space<hbm>>
    %dma_wait3A_67 = arith.constant 0 : i32
    %dma_wait3A_68 = tpu.memref_slice %arg4[%mul3A_2, %dma_wait3A_67] : memref<32768x1024xf32, #tpu.memory_space<hbm>> -> memref<8x1024xf32, #tpu.memory_space<hbm>>
    tpu.wait_dma2 semaphore(%arg22 : memref<!tpu.dma_semaphore, #tpu.memory_space<semaphore_mem>>) src(%arg6 : memref<8x1024xf32, #tpu.memory_space<vmem>>) dst(%dma_wait3A_68 : memref<8x1024xf32, #tpu.memory_space<hbm>>)
    %dma_start3A_69 = arith.constant 64 : i32
    %dma_start3A_70 = tpu.memref_slice %arg5[%dma_start3A_69] : memref<1024xi32, #tpu.memory_space<vmem>> -> memref<8xi32, #tpu.memory_space<vmem>>
    %dma_start3A_71 = arith.constant 0 : i32
    %dma_start3A_72 = arith.constant 0 : i32
    %dma_start3A_73 = tpu.memref_slice %arg3[%dma_start3A_71, %dma_start3A_72] : memref<8192x1024xf32, #tpu.memory_space<hbm>> -> memref<8192x1024xf32, #tpu.memory_space<hbm>>
    tpu.enqueue_indirect_dma source(%dma_start3A_73 : memref<8192x1024xf32, #tpu.memory_space<hbm>>) target(%arg6 : memref<8x1024xf32, #tpu.memory_space<vmem>>) offsets(%dma_start3A_70 : memref<8xi32, #tpu.memory_space<vmem>>) semaphore(%arg14 : memref<!tpu.dma_semaphore, #tpu.memory_space<semaphore_mem>>)
    %dma_wait3A_74 = arith.constant 0 : i32
    %dma_wait3A_75 = arith.constant 0 : i32
    %dma_wait3A_76 = tpu.memref_slice %arg3[%dma_wait3A_74, %dma_wait3A_75] : memref<8192x1024xf32, #tpu.memory_space<hbm>> -> memref<8x1024xf32, #tpu.memory_space<hbm>>
    %dma_wait3A_77 = arith.constant 0 : i32
    %dma_wait3A_78 = arith.constant 0 : i32
    %dma_wait3A_79 = tpu.memref_slice %arg3[%dma_wait3A_77, %dma_wait3A_78] : memref<8192x1024xf32, #tpu.memory_space<hbm>> -> memref<8x1024xf32, #tpu.memory_space<hbm>>
    tpu.wait_dma2 semaphore(%arg16 : memref<!tpu.dma_semaphore, #tpu.memory_space<semaphore_mem>>) src(%dma_wait3A_79 : memref<8x1024xf32, #tpu.memory_space<hbm>>) dst(%arg8 : memref<8x1024xf32, #tpu.memory_space<vmem>>)
    %add3A_80 = arith.constant 16 : i32
    %add3A_81 = arith.addi %mul3A_2, %add3A_80 : i32
    %dma_start3A_82 = arith.constant 0 : i32
    %dma_start3A_83 = tpu.memref_slice %arg4[%add3A_81, %dma_start3A_82] : memref<32768x1024xf32, #tpu.memory_space<hbm>> -> memref<8x1024xf32, #tpu.memory_space<hbm>>
    %dma_start3A_84 = arith.constant 0 : i32
    %dma_start3A_85 = tpu.memref_slice %arg4[%add3A_81, %dma_start3A_84] : memref<32768x1024xf32, #tpu.memory_space<hbm>> -> memref<8x1024xf32, #tpu.memory_space<hbm>>
    tpu.enqueue_dma source(%arg8 : memref<8x1024xf32, #tpu.memory_space<vmem>>) target(%dma_start3A_85 : memref<8x1024xf32, #tpu.memory_space<hbm>>) target_semaphore(%arg24 : memref<!tpu.dma_semaphore, #tpu.memory_space<semaphore_mem>>)
    %dma_wait3A_86 = arith.constant 0 : i32
    %dma_wait3A_87 = tpu.memref_slice %arg4[%mul3A_2, %dma_wait3A_86] : memref<32768x1024xf32, #tpu.memory_space<hbm>> -> memref<8x1024xf32, #tpu.memory_space<hbm>>
    %dma_wait3A_88 = arith.constant 0 : i32
    %dma_wait3A_89 = tpu.memref_slice %arg4[%mul3A_2, %dma_wait3A_88] : memref<32768x1024xf32, #tpu.memory_space<hbm>> -> memref<8x1024xf32, #tpu.memory_space<hbm>>
    tpu.wait_dma2 semaphore(%arg23 : memref<!tpu.dma_semaphore, #tpu.memory_space<semaphore_mem>>) src(%arg7 : memref<8x1024xf32, #tpu.memory_space<vmem>>) dst(%dma_wait3A_89 : memref<8x1024xf32, #tpu.memory_space<hbm>>)
    %dma_start3A_90 = arith.constant 72 : i32
    %dma_start3A_91 = tpu.memref_slice %arg5[%dma_start3A_90] : memref<1024xi32, #tpu.memory_space<vmem>> -> memref<8xi32, #tpu.memory_space<vmem>>
    %dma_start3A_92 = arith.constant 0 : i32
    %dma_start3A_93 = arith.constant 0 : i32
    %dma_start3A_94 = tpu.memref_slice %arg3[%dma_start3A_92, %dma_start3A_93] : memref<8192x1024xf32, #tpu.memory_space<hbm>> -> memref<8192x1024xf32, #tpu.memory_space<hbm>>
    tpu.enqueue_indirect_dma source(%dma_start3A_94 : memref<8192x1024xf32, #tpu.memory_space<hbm>>) target(%arg7 : memref<8x1024xf32, #tpu.memory_space<vmem>>) offsets(%dma_start3A_91 : memref<8xi32, #tpu.memory_space<vmem>>) semaphore(%arg15 : memref<!tpu.dma_semaphore, #tpu.memory_space<semaphore_mem>>)
    %dma_wait3A_95 = arith.constant 0 : i32
    %dma_wait3A_96 = arith.constant 0 : i32
    %dma_wait3A_97 = tpu.memref_slice %arg3[%dma_wait3A_95, %dma_wait3A_96] : memref<8192x1024xf32, #tpu.memory_space<hbm>> -> memref<8x1024xf32, #tpu.memory_space<hbm>>
    %dma_wait3A_98 = arith.constant 0 : i32
    %dma_wait3A_99 = arith.constant 0 : i32
    %dma_wait3A_100 = tpu.memref_slice %arg3[%dma_wait3A_98, %dma_wait3A_99] : memref<8192x1024xf32, #tpu.memory_space<hbm>> -> memref<8x1024xf32, #tpu.memory_space<hbm>>
    tpu.wait_dma2 semaphore(%arg17 : memref<!tpu.dma_semaphore, #tpu.memory_space<semaphore_mem>>) src(%dma_wait3A_100 : memref<8x1024xf32, #tpu.memory_space<hbm>>) dst(%arg9 : memref<8x1024xf32, #tpu.memory_space<vmem>>)
    %add3A_101 = arith.constant 24 : i32
    %add3A_102 = arith.addi %mul3A_2, %add3A_101 : i32
    %dma_start3A_103 = arith.constant 0 : i32
    %dma_start3A_104 = tpu.memref_slice %arg4[%add3A_102, %dma_start3A_103] : memref<32768x1024xf32, #tpu.memory_space<hbm>> -> memref<8x1024xf32, #tpu.memory_space<hbm>>
    %dma_start3A_105 = arith.constant 0 : i32
    %dma_start3A_106 = tpu.memref_slice %arg4[%add3A_102, %dma_start3A_105] : memref<32768x1024xf32, #tpu.memory_space<hbm>> -> memref<8x1024xf32, #tpu.memory_space<hbm>>
    tpu.enqueue_dma source(%arg9 : memref<8x1024xf32, #tpu.memory_space<vmem>>) target(%dma_start3A_106 : memref<8x1024xf32, #tpu.memory_space<hbm>>) target_semaphore(%arg25 : memref<!tpu.dma_semaphore, #tpu.memory_space<semaphore_mem>>)
    %dma_wait3A_107 = arith.constant 0 : i32
    %dma_wait3A_108 = tpu.memref_slice %arg4[%mul3A_2, %dma_wait3A_107] : memref<32768x1024xf32, #tpu.memory_space<hbm>> -> memref<8x1024xf32, #tpu.memory_space<hbm>>
    %dma_wait3A_109 = arith.constant 0 : i32
    %dma_wait3A_110 = tpu.memref_slice %arg4[%mul3A_2, %dma_wait3A_109] : memref<32768x1024xf32, #tpu.memory_space<hbm>> -> memref<8x1024xf32, #tpu.memory_space<hbm>>
    tpu.wait_dma2 semaphore(%arg24 : memref<!tpu.dma_semaphore, #tpu.memory_space<semaphore_mem>>) src(%arg8 : memref<8x1024xf32, #tpu.memory_space<vmem>>) dst(%dma_wait3A_110 : memref<8x1024xf32, #tpu.memory_space<hbm>>)
    %dma_start3A_111 = arith.constant 80 : i32
    %dma_start3A_112 = tpu.memref_slice %arg5[%dma_start3A_111] : memref<1024xi32, #tpu.memory_space<vmem>> -> memref<8xi32, #tpu.memory_space<vmem>>
    %dma_start3A_113 = arith.constant 0 : i32
    %dma_start3A_114 = arith.constant 0 : i32
    %dma_start3A_115 = tpu.memref_slice %arg3[%dma_start3A_113, %dma_start3A_114] : memref<8192x1024xf32, #tpu.memory_space<hbm>> -> memref<8192x1024xf32, #tpu.memory_space<hbm>>
    tpu.enqueue_indirect_dma source(%dma_start3A_115 : memref<8192x1024xf32, #tpu.memory_space<hbm>>) target(%arg8 : memref<8x1024xf32, #tpu.memory_space<vmem>>) offsets(%dma_start3A_112 : memref<8xi32, #tpu.memory_space<vmem>>) semaphore(%arg16 : memref<!tpu.dma_semaphore, #tpu.memory_space<semaphore_mem>>)
    %dma_wait3A_116 = arith.constant 0 : i32
    %dma_wait3A_117 = arith.constant 0 : i32
    %dma_wait3A_118 = tpu.memref_slice %arg3[%dma_wait3A_116, %dma_wait3A_117] : memref<8192x1024xf32, #tpu.memory_space<hbm>> -> memref<8x1024xf32, #tpu.memory_space<hbm>>
    %dma_wait3A_119 = arith.constant 0 : i32
    %dma_wait3A_120 = arith.constant 0 : i32
    %dma_wait3A_121 = tpu.memref_slice %arg3[%dma_wait3A_119, %dma_wait3A_120] : memref<8192x1024xf32, #tpu.memory_space<hbm>> -> memref<8x1024xf32, #tpu.memory_space<hbm>>
    tpu.wait_dma2 semaphore(%arg18 : memref<!tpu.dma_semaphore, #tpu.memory_space<semaphore_mem>>) src(%dma_wait3A_121 : memref<8x1024xf32, #tpu.memory_space<hbm>>) dst(%arg10 : memref<8x1024xf32, #tpu.memory_space<vmem>>)
    %add3A_122 = arith.constant 32 : i32
    %add3A_123 = arith.addi %mul3A_2, %add3A_122 : i32
    %dma_start3A_124 = arith.constant 0 : i32
    %dma_start3A_125 = tpu.memref_slice %arg4[%add3A_123, %dma_start3A_124] : memref<32768x1024xf32, #tpu.memory_space<hbm>> -> memref<8x1024xf32, #tpu.memory_space<hbm>>
    %dma_start3A_126 = arith.constant 0 : i32
    %dma_start3A_127 = tpu.memref_slice %arg4[%add3A_123, %dma_start3A_126] : memref<32768x1024xf32, #tpu.memory_space<hbm>> -> memref<8x1024xf32, #tpu.memory_space<hbm>>
    tpu.enqueue_dma source(%arg10 : memref<8x1024xf32, #tpu.memory_space<vmem>>) target(%dma_start3A_127 : memref<8x1024xf32, #tpu.memory_space<hbm>>) target_semaphore(%arg26 : memref<!tpu.dma_semaphore, #tpu.memory_space<semaphore_mem>>)
    %dma_wait3A_128 = arith.constant 0 : i32
    %dma_wait3A_129 = tpu.memref_slice %arg4[%mul3A_2, %dma_wait3A_128] : memref<32768x1024xf32, #tpu.memory_space<hbm>> -> memref<8x1024xf32, #tpu.memory_space<hbm>>
    %dma_wait3A_130 = arith.constant 0 : i32
    %dma_wait3A_131 = tpu.memref_slice %arg4[%mul3A_2, %dma_wait3A_130] : memref<32768x1024xf32, #tpu.memory_space<hbm>> -> memref<8x1024xf32, #tpu.memory_space<hbm>>
    tpu.wait_dma2 semaphore(%arg25 : memref<!tpu.dma_semaphore, #tpu.memory_space<semaphore_mem>>) src(%arg9 : memref<8x1024xf32, #tpu.memory_space<vmem>>) dst(%dma_wait3A_131 : memref<8x1024xf32, #tpu.memory_space<hbm>>)
    %dma_start3A_132 = arith.constant 88 : i32
    %dma_start3A_133 = tpu.memref_slice %arg5[%dma_start3A_132] : memref<1024xi32, #tpu.memory_space<vmem>> -> memref<8xi32, #tpu.memory_space<vmem>>
    %dma_start3A_134 = arith.constant 0 : i32
    %dma_start3A_135 = arith.constant 0 : i32
    %dma_start3A_136 = tpu.memref_slice %arg3[%dma_start3A_134, %dma_start3A_135] : memref<8192x1024xf32, #tpu.memory_space<hbm>> -> memref<8192x1024xf32, #tpu.memory_space<hbm>>
    tpu.enqueue_indirect_dma source(%dma_start3A_136 : memref<8192x1024xf32, #tpu.memory_space<hbm>>) target(%arg9 : memref<8x1024xf32, #tpu.memory_space<vmem>>) offsets(%dma_start3A_133 : memref<8xi32, #tpu.memory_space<vmem>>) semaphore(%arg17 : memref<!tpu.dma_semaphore, #tpu.memory_space<semaphore_mem>>)
    %dma_wait3A_137 = arith.constant 0 : i32
    %dma_wait3A_138 = arith.constant 0 : i32
    %dma_wait3A_139 = tpu.memref_slice %arg3[%dma_wait3A_137, %dma_wait3A_138] : memref<8192x1024xf32, #tpu.memory_space<hbm>> -> memref<8x1024xf32, #tpu.memory_space<hbm>>
    %dma_wait3A_140 = arith.constant 0 : i32
    %dma_wait3A_141 = arith.constant 0 : i32
    %dma_wait3A_142 = tpu.memref_slice %arg3[%dma_wait3A_140, %dma_wait3A_141] : memref<8192x1024xf32, #tpu.memory_space<hbm>> -> memref<8x1024xf32, #tpu.memory_space<hbm>>
    tpu.wait_dma2 semaphore(%arg19 : memref<!tpu.dma_semaphore, #tpu.memory_space<semaphore_mem>>) src(%dma_wait3A_142 : memref<8x1024xf32, #tpu.memory_space<hbm>>) dst(%arg11 : memref<8x1024xf32, #tpu.memory_space<vmem>>)
    %add3A_143 = arith.constant 40 : i32
    %add3A_144 = arith.addi %mul3A_2, %add3A_143 : i32
    %dma_start3A_145 = arith.constant 0 : i32
    %dma_start3A_146 = tpu.memref_slice %arg4[%add3A_144, %dma_start3A_145] : memref<32768x1024xf32, #tpu.memory_space<hbm>> -> memref<8x1024xf32, #tpu.memory_space<hbm>>
    %dma_start3A_147 = arith.constant 0 : i32
    %dma_start3A_148 = tpu.memref_slice %arg4[%add3A_144, %dma_start3A_147] : memref<32768x1024xf32, #tpu.memory_space<hbm>> -> memref<8x1024xf32, #tpu.memory_space<hbm>>
    tpu.enqueue_dma source(%arg11 : memref<8x1024xf32, #tpu.memory_space<vmem>>) target(%dma_start3A_148 : memref<8x1024xf32, #tpu.memory_space<hbm>>) target_semaphore(%arg27 : memref<!tpu.dma_semaphore, #tpu.memory_space<semaphore_mem>>)
    %dma_wait3A_149 = arith.constant 0 : i32
    %dma_wait3A_150 = tpu.memref_slice %arg4[%mul3A_2, %dma_wait3A_149] : memref<32768x1024xf32, #tpu.memory_space<hbm>> -> memref<8x1024xf32, #tpu.memory_space<hbm>>
    %dma_wait3A_151 = arith.constant 0 : i32
    %dma_wait3A_152 = tpu.memref_slice %arg4[%mul3A_2, %dma_wait3A_151] : memref<32768x1024xf32, #tpu.memory_space<hbm>> -> memref<8x1024xf32, #tpu.memory_space<hbm>>
    tpu.wait_dma2 semaphore(%arg26 : memref<!tpu.dma_semaphore, #tpu.memory_space<semaphore_mem>>) src(%arg10 : memref<8x1024xf32, #tpu.memory_space<vmem>>) dst(%dma_wait3A_152 : memref<8x1024xf32, #tpu.memory_space<hbm>>)
    %dma_start3A_153 = arith.constant 96 : i32
    %dma_start3A_154 = tpu.memref_slice %arg5[%dma_start3A_153] : memref<1024xi32, #tpu.memory_space<vmem>> -> memref<8xi32, #tpu.memory_space<vmem>>
    %dma_start3A_155 = arith.constant 0 : i32
    %dma_start3A_156 = arith.constant 0 : i32
    %dma_start3A_157 = tpu.memref_slice %arg3[%dma_start3A_155, %dma_start3A_156] : memref<8192x1024xf32, #tpu.memory_space<hbm>> -> memref<8192x1024xf32, #tpu.memory_space<hbm>>
    tpu.enqueue_indirect_dma source(%dma_start3A_157 : memref<8192x1024xf32, #tpu.memory_space<hbm>>) target(%arg10 : memref<8x1024xf32, #tpu.memory_space<vmem>>) offsets(%dma_start3A_154 : memref<8xi32, #tpu.memory_space<vmem>>) semaphore(%arg18 : memref<!tpu.dma_semaphore, #tpu.memory_space<semaphore_mem>>)
    %dma_wait3A_158 = arith.constant 0 : i32
    %dma_wait3A_159 = arith.constant 0 : i32
    %dma_wait3A_160 = tpu.memref_slice %arg3[%dma_wait3A_158, %dma_wait3A_159] : memref<8192x1024xf32, #tpu.memory_space<hbm>> -> memref<8x1024xf32, #tpu.memory_space<hbm>>
    %dma_wait3A_161 = arith.constant 0 : i32
    %dma_wait3A_162 = arith.constant 0 : i32
    %dma_wait3A_163 = tpu.memref_slice %arg3[%dma_wait3A_161, %dma_wait3A_162] : memref<8192x1024xf32, #tpu.memory_space<hbm>> -> memref<8x1024xf32, #tpu.memory_space<hbm>>
    tpu.wait_dma2 semaphore(%arg20 : memref<!tpu.dma_semaphore, #tpu.memory_space<semaphore_mem>>) src(%dma_wait3A_163 : memref<8x1024xf32, #tpu.memory_space<hbm>>) dst(%arg12 : memref<8x1024xf32, #tpu.memory_space<vmem>>)
    %add3A_164 = arith.constant 48 : i32
    %add3A_165 = arith.addi %mul3A_2, %add3A_164 : i32
    %dma_start3A_166 = arith.constant 0 : i32
    %dma_start3A_167 = tpu.memref_slice %arg4[%add3A_165, %dma_start3A_166] : memref<32768x1024xf32, #tpu.memory_space<hbm>> -> memref<8x1024xf32, #tpu.memory_space<hbm>>
    %dma_start3A_168 = arith.constant 0 : i32
    %dma_start3A_169 = tpu.memref_slice %arg4[%add3A_165, %dma_start3A_168] : memref<32768x1024xf32, #tpu.memory_space<hbm>> -> memref<8x1024xf32, #tpu.memory_space<hbm>>
    tpu.enqueue_dma source(%arg12 : memref<8x1024xf32, #tpu.memory_space<vmem>>) target(%dma_start3A_169 : memref<8x1024xf32, #tpu.memory_space<hbm>>) target_semaphore(%arg28 : memref<!tpu.dma_semaphore, #tpu.memory_space<semaphore_mem>>)
    %dma_wait3A_170 = arith.constant 0 : i32
    %dma_wait3A_171 = tpu.memref_slice %arg4[%mul3A_2, %dma_wait3A_170] : memref<32768x1024xf32, #tpu.memory_space<hbm>> -> memref<8x1024xf32, #tpu.memory_space<hbm>>
    %dma_wait3A_172 = arith.constant 0 : i32
    %dma_wait3A_173 = tpu.memref_slice %arg4[%mul3A_2, %dma_wait3A_172] : memref<32768x1024xf32, #tpu.memory_space<hbm>> -> memref<8x1024xf32, #tpu.memory_space<hbm>>
    tpu.wait_dma2 semaphore(%arg27 : memref<!tpu.dma_semaphore, #tpu.memory_space<semaphore_mem>>) src(%arg11 : memref<8x1024xf32, #tpu.memory_space<vmem>>) dst(%dma_wait3A_173 : memref<8x1024xf32, #tpu.memory_space<hbm>>)
    %dma_start3A_174 = arith.constant 104 : i32
    %dma_start3A_175 = tpu.memref_slice %arg5[%dma_start3A_174] : memref<1024xi32, #tpu.memory_space<vmem>> -> memref<8xi32, #tpu.memory_space<vmem>>
    %dma_start3A_176 = arith.constant 0 : i32
    %dma_start3A_177 = arith.constant 0 : i32
    %dma_start3A_178 = tpu.memref_slice %arg3[%dma_start3A_176, %dma_start3A_177] : memref<8192x1024xf32, #tpu.memory_space<hbm>> -> memref<8192x1024xf32, #tpu.memory_space<hbm>>
    tpu.enqueue_indirect_dma source(%dma_start3A_178 : memref<8192x1024xf32, #tpu.memory_space<hbm>>) target(%arg11 : memref<8x1024xf32, #tpu.memory_space<vmem>>) offsets(%dma_start3A_175 : memref<8xi32, #tpu.memory_space<vmem>>) semaphore(%arg19 : memref<!tpu.dma_semaphore, #tpu.memory_space<semaphore_mem>>)
    %dma_wait3A_179 = arith.constant 0 : i32
    %dma_wait3A_180 = arith.constant 0 : i32
    %dma_wait3A_181 = tpu.memref_slice %arg3[%dma_wait3A_179, %dma_wait3A_180] : memref<8192x1024xf32, #tpu.memory_space<hbm>> -> memref<8x1024xf32, #tpu.memory_space<hbm>>
    %dma_wait3A_182 = arith.constant 0 : i32
    %dma_wait3A_183 = arith.constant 0 : i32
    %dma_wait3A_184 = tpu.memref_slice %arg3[%dma_wait3A_182, %dma_wait3A_183] : memref<8192x1024xf32, #tpu.memory_space<hbm>> -> memref<8x1024xf32, #tpu.memory_space<hbm>>
    tpu.wait_dma2 semaphore(%arg21 : memref<!tpu.dma_semaphore, #tpu.memory_space<semaphore_mem>>) src(%dma_wait3A_184 : memref<8x1024xf32, #tpu.memory_space<hbm>>) dst(%arg13 : memref<8x1024xf32, #tpu.memory_space<vmem>>)
    %add3A_185 = arith.constant 56 : i32
    %add3A_186 = arith.addi %mul3A_2, %add3A_185 : i32
    %dma_start3A_187 = arith.constant 0 : i32
    %dma_start3A_188 = tpu.memref_slice %arg4[%add3A_186, %dma_start3A_187] : memref<32768x1024xf32, #tpu.memory_space<hbm>> -> memref<8x1024xf32, #tpu.memory_space<hbm>>
    %dma_start3A_189 = arith.constant 0 : i32
    %dma_start3A_190 = tpu.memref_slice %arg4[%add3A_186, %dma_start3A_189] : memref<32768x1024xf32, #tpu.memory_space<hbm>> -> memref<8x1024xf32, #tpu.memory_space<hbm>>
    tpu.enqueue_dma source(%arg13 : memref<8x1024xf32, #tpu.memory_space<vmem>>) target(%dma_start3A_190 : memref<8x1024xf32, #tpu.memory_space<hbm>>) target_semaphore(%arg29 : memref<!tpu.dma_semaphore, #tpu.memory_space<semaphore_mem>>)
    %dma_wait3A_191 = arith.constant 0 : i32
    %dma_wait3A_192 = tpu.memref_slice %arg4[%mul3A_2, %dma_wait3A_191] : memref<32768x1024xf32, #tpu.memory_space<hbm>> -> memref<8x1024xf32, #tpu.memory_space<hbm>>
    %dma_wait3A_193 = arith.constant 0 : i32
    %dma_wait3A_194 = tpu.memref_slice %arg4[%mul3A_2, %dma_wait3A_193] : memref<32768x1024xf32, #tpu.memory_space<hbm>> -> memref<8x1024xf32, #tpu.memory_space<hbm>>
    tpu.wait_dma2 semaphore(%arg28 : memref<!tpu.dma_semaphore, #tpu.memory_space<semaphore_mem>>) src(%arg12 : memref<8x1024xf32, #tpu.memory_space<vmem>>) dst(%dma_wait3A_194 : memref<8x1024xf32, #tpu.memory_space<hbm>>)
    %dma_start3A_195 = arith.constant 112 : i32
    %dma_start3A_196 = tpu.memref_slice %arg5[%dma_start3A_195] : memref<1024xi32, #tpu.memory_space<vmem>> -> memref<8xi32, #tpu.memory_space<vmem>>
    %dma_start3A_197 = arith.constant 0 : i32
    %dma_start3A_198 = arith.constant 0 : i32
    %dma_start3A_199 = tpu.memref_slice %arg3[%dma_start3A_197, %dma_start3A_198] : memref<8192x1024xf32, #tpu.memory_space<hbm>> -> memref<8192x1024xf32, #tpu.memory_space<hbm>>
    tpu.enqueue_indirect_dma source(%dma_start3A_199 : memref<8192x1024xf32, #tpu.memory_space<hbm>>) target(%arg12 : memref<8x1024xf32, #tpu.memory_space<vmem>>) offsets(%dma_start3A_196 : memref<8xi32, #tpu.memory_space<vmem>>) semaphore(%arg20 : memref<!tpu.dma_semaphore, #tpu.memory_space<semaphore_mem>>)
    %scan3A = arith.constant 0 : i32
    %scan3A_200 = arith.constant 1 : i32
    %scan3A_201 = arith.constant 14 : i32
    %scan3A_202 = arith.addi %scan3A_200, %scan3A_201 : i32
    %scan3A_203 = arith.constant 1 : i32
    %scan3A_204 = scf.for %scan3A_343 = %scan3A_200 to %scan3A_202 step %scan3A_203 iter_args(%scan3A_344 = %scan3A) -> (i32)  : i32 {
      %mul3A_345 = arith.constant 8 : i32
      %mul3A_346 = arith.muli %scan3A_343, %mul3A_345 : i32
      %add3A_347 = arith.constant 0 : i32
      %add3A_348 = arith.addi %mul3A_346, %add3A_347 : i32
      %dma_wait3A_349 = arith.constant 0 : i32
      %dma_wait3A_350 = arith.constant 0 : i32
      %dma_wait3A_351 = tpu.memref_slice %arg3[%dma_wait3A_349, %dma_wait3A_350] : memref<8192x1024xf32, #tpu.memory_space<hbm>> -> memref<8x1024xf32, #tpu.memory_space<hbm>>
      %dma_wait3A_352 = arith.constant 0 : i32
      %dma_wait3A_353 = arith.constant 0 : i32
      %dma_wait3A_354 = tpu.memref_slice %arg3[%dma_wait3A_352, %dma_wait3A_353] : memref<8192x1024xf32, #tpu.memory_space<hbm>> -> memref<8x1024xf32, #tpu.memory_space<hbm>>
      tpu.wait_dma2 semaphore(%arg14 : memref<!tpu.dma_semaphore, #tpu.memory_space<semaphore_mem>>) src(%dma_wait3A_354 : memref<8x1024xf32, #tpu.memory_space<hbm>>) dst(%arg6 : memref<8x1024xf32, #tpu.memory_space<vmem>>)
      %mul3A_355 = arith.constant 8 : i32
      %mul3A_356 = arith.muli %add3A_348, %mul3A_355 : i32
      %add3A_357 = arith.addi %mul3A_2, %mul3A_356 : i32
      %dma_start3A_358 = arith.constant 0 : i32
      %dma_start3A_359 = tpu.memref_slice %arg4[%add3A_357, %dma_start3A_358] : memref<32768x1024xf32, #tpu.memory_space<hbm>> -> memref<8x1024xf32, #tpu.memory_space<hbm>>
      %dma_start3A_360 = arith.constant 0 : i32
      %dma_start3A_361 = tpu.memref_slice %arg4[%add3A_357, %dma_start3A_360] : memref<32768x1024xf32, #tpu.memory_space<hbm>> -> memref<8x1024xf32, #tpu.memory_space<hbm>>
      tpu.enqueue_dma source(%arg6 : memref<8x1024xf32, #tpu.memory_space<vmem>>) target(%dma_start3A_361 : memref<8x1024xf32, #tpu.memory_space<hbm>>) target_semaphore(%arg22 : memref<!tpu.dma_semaphore, #tpu.memory_space<semaphore_mem>>)
      %dma_wait3A_362 = arith.constant 0 : i32
      %dma_wait3A_363 = tpu.memref_slice %arg4[%mul3A_2, %dma_wait3A_362] : memref<32768x1024xf32, #tpu.memory_space<hbm>> -> memref<8x1024xf32, #tpu.memory_space<hbm>>
      %dma_wait3A_364 = arith.constant 0 : i32
      %dma_wait3A_365 = tpu.memref_slice %arg4[%mul3A_2, %dma_wait3A_364] : memref<32768x1024xf32, #tpu.memory_space<hbm>> -> memref<8x1024xf32, #tpu.memory_space<hbm>>
      tpu.wait_dma2 semaphore(%arg29 : memref<!tpu.dma_semaphore, #tpu.memory_space<semaphore_mem>>) src(%arg13 : memref<8x1024xf32, #tpu.memory_space<vmem>>) dst(%dma_wait3A_365 : memref<8x1024xf32, #tpu.memory_space<hbm>>)
      %add3A_366 = arith.constant 8 : i32
      %add3A_367 = arith.addi %add3A_348, %add3A_366 : i32
      %sub3A = arith.constant 1 : i32
      %sub3A_368 = arith.subi %add3A_367, %sub3A : i32
      %mul3A_369 = arith.constant 8 : i32
      %mul3A_370 = arith.muli %sub3A_368, %mul3A_369 : i32
      %dma_start3A_371 = tpu.memref_slice %arg5[%mul3A_370] : memref<1024xi32, #tpu.memory_space<vmem>> -> memref<8xi32, #tpu.memory_space<vmem>>
      %dma_start3A_372 = arith.constant 0 : i32
      %dma_start3A_373 = arith.constant 0 : i32
      %dma_start3A_374 = tpu.memref_slice %arg3[%dma_start3A_372, %dma_start3A_373] : memref<8192x1024xf32, #tpu.memory_space<hbm>> -> memref<8192x1024xf32, #tpu.memory_space<hbm>>
      tpu.enqueue_indirect_dma source(%dma_start3A_374 : memref<8192x1024xf32, #tpu.memory_space<hbm>>) target(%arg13 : memref<8x1024xf32, #tpu.memory_space<vmem>>) offsets(%dma_start3A_371 : memref<8xi32, #tpu.memory_space<vmem>>) semaphore(%arg21 : memref<!tpu.dma_semaphore, #tpu.memory_space<semaphore_mem>>)
      %mul3A_375 = arith.constant 8 : i32
      %mul3A_376 = arith.muli %scan3A_343, %mul3A_375 : i32
      %add3A_377 = arith.constant 1 : i32
      %add3A_378 = arith.addi %mul3A_376, %add3A_377 : i32
      %dma_wait3A_379 = arith.constant 0 : i32
      %dma_wait3A_380 = arith.constant 0 : i32
      %dma_wait3A_381 = tpu.memref_slice %arg3[%dma_wait3A_379, %dma_wait3A_380] : memref<8192x1024xf32, #tpu.memory_space<hbm>> -> memref<8x1024xf32, #tpu.memory_space<hbm>>
      %dma_wait3A_382 = arith.constant 0 : i32
      %dma_wait3A_383 = arith.constant 0 : i32
      %dma_wait3A_384 = tpu.memref_slice %arg3[%dma_wait3A_382, %dma_wait3A_383] : memref<8192x1024xf32, #tpu.memory_space<hbm>> -> memref<8x1024xf32, #tpu.memory_space<hbm>>
      tpu.wait_dma2 semaphore(%arg15 : memref<!tpu.dma_semaphore, #tpu.memory_space<semaphore_mem>>) src(%dma_wait3A_384 : memref<8x1024xf32, #tpu.memory_space<hbm>>) dst(%arg7 : memref<8x1024xf32, #tpu.memory_space<vmem>>)
      %mul3A_385 = arith.constant 8 : i32
      %mul3A_386 = arith.muli %add3A_378, %mul3A_385 : i32
      %add3A_387 = arith.addi %mul3A_2, %mul3A_386 : i32
      %dma_start3A_388 = arith.constant 0 : i32
      %dma_start3A_389 = tpu.memref_slice %arg4[%add3A_387, %dma_start3A_388] : memref<32768x1024xf32, #tpu.memory_space<hbm>> -> memref<8x1024xf32, #tpu.memory_space<hbm>>
      %dma_start3A_390 = arith.constant 0 : i32
      %dma_start3A_391 = tpu.memref_slice %arg4[%add3A_387, %dma_start3A_390] : memref<32768x1024xf32, #tpu.memory_space<hbm>> -> memref<8x1024xf32, #tpu.memory_space<hbm>>
      tpu.enqueue_dma source(%arg7 : memref<8x1024xf32, #tpu.memory_space<vmem>>) target(%dma_start3A_391 : memref<8x1024xf32, #tpu.memory_space<hbm>>) target_semaphore(%arg23 : memref<!tpu.dma_semaphore, #tpu.memory_space<semaphore_mem>>)
      %dma_wait3A_392 = arith.constant 0 : i32
      %dma_wait3A_393 = tpu.memref_slice %arg4[%mul3A_2, %dma_wait3A_392] : memref<32768x1024xf32, #tpu.memory_space<hbm>> -> memref<8x1024xf32, #tpu.memory_space<hbm>>
      %dma_wait3A_394 = arith.constant 0 : i32
      %dma_wait3A_395 = tpu.memref_slice %arg4[%mul3A_2, %dma_wait3A_394] : memref<32768x1024xf32, #tpu.memory_space<hbm>> -> memref<8x1024xf32, #tpu.memory_space<hbm>>
      tpu.wait_dma2 semaphore(%arg22 : memref<!tpu.dma_semaphore, #tpu.memory_space<semaphore_mem>>) src(%arg6 : memref<8x1024xf32, #tpu.memory_space<vmem>>) dst(%dma_wait3A_395 : memref<8x1024xf32, #tpu.memory_space<hbm>>)
      %add3A_396 = arith.constant 8 : i32
      %add3A_397 = arith.addi %add3A_378, %add3A_396 : i32
      %sub3A_398 = arith.constant 1 : i32
      %sub3A_399 = arith.subi %add3A_397, %sub3A_398 : i32
      %mul3A_400 = arith.constant 8 : i32
      %mul3A_401 = arith.muli %sub3A_399, %mul3A_400 : i32
      %dma_start3A_402 = tpu.memref_slice %arg5[%mul3A_401] : memref<1024xi32, #tpu.memory_space<vmem>> -> memref<8xi32, #tpu.memory_space<vmem>>
      %dma_start3A_403 = arith.constant 0 : i32
      %dma_start3A_404 = arith.constant 0 : i32
      %dma_start3A_405 = tpu.memref_slice %arg3[%dma_start3A_403, %dma_start3A_404] : memref<8192x1024xf32, #tpu.memory_space<hbm>> -> memref<8192x1024xf32, #tpu.memory_space<hbm>>
      tpu.enqueue_indirect_dma source(%dma_start3A_405 : memref<8192x1024xf32, #tpu.memory_space<hbm>>) target(%arg6 : memref<8x1024xf32, #tpu.memory_space<vmem>>) offsets(%dma_start3A_402 : memref<8xi32, #tpu.memory_space<vmem>>) semaphore(%arg14 : memref<!tpu.dma_semaphore, #tpu.memory_space<semaphore_mem>>)
      %mul3A_406 = arith.constant 8 : i32
      %mul3A_407 = arith.muli %scan3A_343, %mul3A_406 : i32
      %add3A_408 = arith.constant 2 : i32
      %add3A_409 = arith.addi %mul3A_407, %add3A_408 : i32
      %dma_wait3A_410 = arith.constant 0 : i32
      %dma_wait3A_411 = arith.constant 0 : i32
      %dma_wait3A_412 = tpu.memref_slice %arg3[%dma_wait3A_410, %dma_wait3A_411] : memref<8192x1024xf32, #tpu.memory_space<hbm>> -> memref<8x1024xf32, #tpu.memory_space<hbm>>
      %dma_wait3A_413 = arith.constant 0 : i32
      %dma_wait3A_414 = arith.constant 0 : i32
      %dma_wait3A_415 = tpu.memref_slice %arg3[%dma_wait3A_413, %dma_wait3A_414] : memref<8192x1024xf32, #tpu.memory_space<hbm>> -> memref<8x1024xf32, #tpu.memory_space<hbm>>
      tpu.wait_dma2 semaphore(%arg16 : memref<!tpu.dma_semaphore, #tpu.memory_space<semaphore_mem>>) src(%dma_wait3A_415 : memref<8x1024xf32, #tpu.memory_space<hbm>>) dst(%arg8 : memref<8x1024xf32, #tpu.memory_space<vmem>>)
      %mul3A_416 = arith.constant 8 : i32
      %mul3A_417 = arith.muli %add3A_409, %mul3A_416 : i32
      %add3A_418 = arith.addi %mul3A_2, %mul3A_417 : i32
      %dma_start3A_419 = arith.constant 0 : i32
      %dma_start3A_420 = tpu.memref_slice %arg4[%add3A_418, %dma_start3A_419] : memref<32768x1024xf32, #tpu.memory_space<hbm>> -> memref<8x1024xf32, #tpu.memory_space<hbm>>
      %dma_start3A_421 = arith.constant 0 : i32
      %dma_start3A_422 = tpu.memref_slice %arg4[%add3A_418, %dma_start3A_421] : memref<32768x1024xf32, #tpu.memory_space<hbm>> -> memref<8x1024xf32, #tpu.memory_space<hbm>>
      tpu.enqueue_dma source(%arg8 : memref<8x1024xf32, #tpu.memory_space<vmem>>) target(%dma_start3A_422 : memref<8x1024xf32, #tpu.memory_space<hbm>>) target_semaphore(%arg24 : memref<!tpu.dma_semaphore, #tpu.memory_space<semaphore_mem>>)
      %dma_wait3A_423 = arith.constant 0 : i32
      %dma_wait3A_424 = tpu.memref_slice %arg4[%mul3A_2, %dma_wait3A_423] : memref<32768x1024xf32, #tpu.memory_space<hbm>> -> memref<8x1024xf32, #tpu.memory_space<hbm>>
      %dma_wait3A_425 = arith.constant 0 : i32
      %dma_wait3A_426 = tpu.memref_slice %arg4[%mul3A_2, %dma_wait3A_425] : memref<32768x1024xf32, #tpu.memory_space<hbm>> -> memref<8x1024xf32, #tpu.memory_space<hbm>>
      tpu.wait_dma2 semaphore(%arg23 : memref<!tpu.dma_semaphore, #tpu.memory_space<semaphore_mem>>) src(%arg7 : memref<8x1024xf32, #tpu.memory_space<vmem>>) dst(%dma_wait3A_426 : memref<8x1024xf32, #tpu.memory_space<hbm>>)
      %add3A_427 = arith.constant 8 : i32
      %add3A_428 = arith.addi %add3A_409, %add3A_427 : i32
      %sub3A_429 = arith.constant 1 : i32
      %sub3A_430 = arith.subi %add3A_428, %sub3A_429 : i32
      %mul3A_431 = arith.constant 8 : i32
      %mul3A_432 = arith.muli %sub3A_430, %mul3A_431 : i32
      %dma_start3A_433 = tpu.memref_slice %arg5[%mul3A_432] : memref<1024xi32, #tpu.memory_space<vmem>> -> memref<8xi32, #tpu.memory_space<vmem>>
      %dma_start3A_434 = arith.constant 0 : i32
      %dma_start3A_435 = arith.constant 0 : i32
      %dma_start3A_436 = tpu.memref_slice %arg3[%dma_start3A_434, %dma_start3A_435] : memref<8192x1024xf32, #tpu.memory_space<hbm>> -> memref<8192x1024xf32, #tpu.memory_space<hbm>>
      tpu.enqueue_indirect_dma source(%dma_start3A_436 : memref<8192x1024xf32, #tpu.memory_space<hbm>>) target(%arg7 : memref<8x1024xf32, #tpu.memory_space<vmem>>) offsets(%dma_start3A_433 : memref<8xi32, #tpu.memory_space<vmem>>) semaphore(%arg15 : memref<!tpu.dma_semaphore, #tpu.memory_space<semaphore_mem>>)
      %mul3A_437 = arith.constant 8 : i32
      %mul3A_438 = arith.muli %scan3A_343, %mul3A_437 : i32
      %add3A_439 = arith.constant 3 : i32
      %add3A_440 = arith.addi %mul3A_438, %add3A_439 : i32
      %dma_wait3A_441 = arith.constant 0 : i32
      %dma_wait3A_442 = arith.constant 0 : i32
      %dma_wait3A_443 = tpu.memref_slice %arg3[%dma_wait3A_441, %dma_wait3A_442] : memref<8192x1024xf32, #tpu.memory_space<hbm>> -> memref<8x1024xf32, #tpu.memory_space<hbm>>
      %dma_wait3A_444 = arith.constant 0 : i32
      %dma_wait3A_445 = arith.constant 0 : i32
      %dma_wait3A_446 = tpu.memref_slice %arg3[%dma_wait3A_444, %dma_wait3A_445] : memref<8192x1024xf32, #tpu.memory_space<hbm>> -> memref<8x1024xf32, #tpu.memory_space<hbm>>
      tpu.wait_dma2 semaphore(%arg17 : memref<!tpu.dma_semaphore, #tpu.memory_space<semaphore_mem>>) src(%dma_wait3A_446 : memref<8x1024xf32, #tpu.memory_space<hbm>>) dst(%arg9 : memref<8x1024xf32, #tpu.memory_space<vmem>>)
      %mul3A_447 = arith.constant 8 : i32
      %mul3A_448 = arith.muli %add3A_440, %mul3A_447 : i32
      %add3A_449 = arith.addi %mul3A_2, %mul3A_448 : i32
      %dma_start3A_450 = arith.constant 0 : i32
      %dma_start3A_451 = tpu.memref_slice %arg4[%add3A_449, %dma_start3A_450] : memref<32768x1024xf32, #tpu.memory_space<hbm>> -> memref<8x1024xf32, #tpu.memory_space<hbm>>
      %dma_start3A_452 = arith.constant 0 : i32
      %dma_start3A_453 = tpu.memref_slice %arg4[%add3A_449, %dma_start3A_452] : memref<32768x1024xf32, #tpu.memory_space<hbm>> -> memref<8x1024xf32, #tpu.memory_space<hbm>>
      tpu.enqueue_dma source(%arg9 : memref<8x1024xf32, #tpu.memory_space<vmem>>) target(%dma_start3A_453 : memref<8x1024xf32, #tpu.memory_space<hbm>>) target_semaphore(%arg25 : memref<!tpu.dma_semaphore, #tpu.memory_space<semaphore_mem>>)
      %dma_wait3A_454 = arith.constant 0 : i32
      %dma_wait3A_455 = tpu.memref_slice %arg4[%mul3A_2, %dma_wait3A_454] : memref<32768x1024xf32, #tpu.memory_space<hbm>> -> memref<8x1024xf32, #tpu.memory_space<hbm>>
      %dma_wait3A_456 = arith.constant 0 : i32
      %dma_wait3A_457 = tpu.memref_slice %arg4[%mul3A_2, %dma_wait3A_456] : memref<32768x1024xf32, #tpu.memory_space<hbm>> -> memref<8x1024xf32, #tpu.memory_space<hbm>>
      tpu.wait_dma2 semaphore(%arg24 : memref<!tpu.dma_semaphore, #tpu.memory_space<semaphore_mem>>) src(%arg8 : memref<8x1024xf32, #tpu.memory_space<vmem>>) dst(%dma_wait3A_457 : memref<8x1024xf32, #tpu.memory_space<hbm>>)
      %add3A_458 = arith.constant 8 : i32
      %add3A_459 = arith.addi %add3A_440, %add3A_458 : i32
      %sub3A_460 = arith.constant 1 : i32
      %sub3A_461 = arith.subi %add3A_459, %sub3A_460 : i32
      %mul3A_462 = arith.constant 8 : i32
      %mul3A_463 = arith.muli %sub3A_461, %mul3A_462 : i32
      %dma_start3A_464 = tpu.memref_slice %arg5[%mul3A_463] : memref<1024xi32, #tpu.memory_space<vmem>> -> memref<8xi32, #tpu.memory_space<vmem>>
      %dma_start3A_465 = arith.constant 0 : i32
      %dma_start3A_466 = arith.constant 0 : i32
      %dma_start3A_467 = tpu.memref_slice %arg3[%dma_start3A_465, %dma_start3A_466] : memref<8192x1024xf32, #tpu.memory_space<hbm>> -> memref<8192x1024xf32, #tpu.memory_space<hbm>>
      tpu.enqueue_indirect_dma source(%dma_start3A_467 : memref<8192x1024xf32, #tpu.memory_space<hbm>>) target(%arg8 : memref<8x1024xf32, #tpu.memory_space<vmem>>) offsets(%dma_start3A_464 : memref<8xi32, #tpu.memory_space<vmem>>) semaphore(%arg16 : memref<!tpu.dma_semaphore, #tpu.memory_space<semaphore_mem>>)
      %mul3A_468 = arith.constant 8 : i32
      %mul3A_469 = arith.muli %scan3A_343, %mul3A_468 : i32
      %add3A_470 = arith.constant 4 : i32
      %add3A_471 = arith.addi %mul3A_469, %add3A_470 : i32
      %dma_wait3A_472 = arith.constant 0 : i32
      %dma_wait3A_473 = arith.constant 0 : i32
      %dma_wait3A_474 = tpu.memref_slice %arg3[%dma_wait3A_472, %dma_wait3A_473] : memref<8192x1024xf32, #tpu.memory_space<hbm>> -> memref<8x1024xf32, #tpu.memory_space<hbm>>
      %dma_wait3A_475 = arith.constant 0 : i32
      %dma_wait3A_476 = arith.constant 0 : i32
      %dma_wait3A_477 = tpu.memref_slice %arg3[%dma_wait3A_475, %dma_wait3A_476] : memref<8192x1024xf32, #tpu.memory_space<hbm>> -> memref<8x1024xf32, #tpu.memory_space<hbm>>
      tpu.wait_dma2 semaphore(%arg18 : memref<!tpu.dma_semaphore, #tpu.memory_space<semaphore_mem>>) src(%dma_wait3A_477 : memref<8x1024xf32, #tpu.memory_space<hbm>>) dst(%arg10 : memref<8x1024xf32, #tpu.memory_space<vmem>>)
      %mul3A_478 = arith.constant 8 : i32
      %mul3A_479 = arith.muli %add3A_471, %mul3A_478 : i32
      %add3A_480 = arith.addi %mul3A_2, %mul3A_479 : i32
      %dma_start3A_481 = arith.constant 0 : i32
      %dma_start3A_482 = tpu.memref_slice %arg4[%add3A_480, %dma_start3A_481] : memref<32768x1024xf32, #tpu.memory_space<hbm>> -> memref<8x1024xf32, #tpu.memory_space<hbm>>
      %dma_start3A_483 = arith.constant 0 : i32
      %dma_start3A_484 = tpu.memref_slice %arg4[%add3A_480, %dma_start3A_483] : memref<32768x1024xf32, #tpu.memory_space<hbm>> -> memref<8x1024xf32, #tpu.memory_space<hbm>>
      tpu.enqueue_dma source(%arg10 : memref<8x1024xf32, #tpu.memory_space<vmem>>) target(%dma_start3A_484 : memref<8x1024xf32, #tpu.memory_space<hbm>>) target_semaphore(%arg26 : memref<!tpu.dma_semaphore, #tpu.memory_space<semaphore_mem>>)
      %dma_wait3A_485 = arith.constant 0 : i32
      %dma_wait3A_486 = tpu.memref_slice %arg4[%mul3A_2, %dma_wait3A_485] : memref<32768x1024xf32, #tpu.memory_space<hbm>> -> memref<8x1024xf32, #tpu.memory_space<hbm>>
      %dma_wait3A_487 = arith.constant 0 : i32
      %dma_wait3A_488 = tpu.memref_slice %arg4[%mul3A_2, %dma_wait3A_487] : memref<32768x1024xf32, #tpu.memory_space<hbm>> -> memref<8x1024xf32, #tpu.memory_space<hbm>>
      tpu.wait_dma2 semaphore(%arg25 : memref<!tpu.dma_semaphore, #tpu.memory_space<semaphore_mem>>) src(%arg9 : memref<8x1024xf32, #tpu.memory_space<vmem>>) dst(%dma_wait3A_488 : memref<8x1024xf32, #tpu.memory_space<hbm>>)
      %add3A_489 = arith.constant 8 : i32
      %add3A_490 = arith.addi %add3A_471, %add3A_489 : i32
      %sub3A_491 = arith.constant 1 : i32
      %sub3A_492 = arith.subi %add3A_490, %sub3A_491 : i32
      %mul3A_493 = arith.constant 8 : i32
      %mul3A_494 = arith.muli %sub3A_492, %mul3A_493 : i32
      %dma_start3A_495 = tpu.memref_slice %arg5[%mul3A_494] : memref<1024xi32, #tpu.memory_space<vmem>> -> memref<8xi32, #tpu.memory_space<vmem>>
      %dma_start3A_496 = arith.constant 0 : i32
      %dma_start3A_497 = arith.constant 0 : i32
      %dma_start3A_498 = tpu.memref_slice %arg3[%dma_start3A_496, %dma_start3A_497] : memref<8192x1024xf32, #tpu.memory_space<hbm>> -> memref<8192x1024xf32, #tpu.memory_space<hbm>>
      tpu.enqueue_indirect_dma source(%dma_start3A_498 : memref<8192x1024xf32, #tpu.memory_space<hbm>>) target(%arg9 : memref<8x1024xf32, #tpu.memory_space<vmem>>) offsets(%dma_start3A_495 : memref<8xi32, #tpu.memory_space<vmem>>) semaphore(%arg17 : memref<!tpu.dma_semaphore, #tpu.memory_space<semaphore_mem>>)
      %mul3A_499 = arith.constant 8 : i32
      %mul3A_500 = arith.muli %scan3A_343, %mul3A_499 : i32
      %add3A_501 = arith.constant 5 : i32
      %add3A_502 = arith.addi %mul3A_500, %add3A_501 : i32
      %dma_wait3A_503 = arith.constant 0 : i32
      %dma_wait3A_504 = arith.constant 0 : i32
      %dma_wait3A_505 = tpu.memref_slice %arg3[%dma_wait3A_503, %dma_wait3A_504] : memref<8192x1024xf32, #tpu.memory_space<hbm>> -> memref<8x1024xf32, #tpu.memory_space<hbm>>
      %dma_wait3A_506 = arith.constant 0 : i32
      %dma_wait3A_507 = arith.constant 0 : i32
      %dma_wait3A_508 = tpu.memref_slice %arg3[%dma_wait3A_506, %dma_wait3A_507] : memref<8192x1024xf32, #tpu.memory_space<hbm>> -> memref<8x1024xf32, #tpu.memory_space<hbm>>
      tpu.wait_dma2 semaphore(%arg19 : memref<!tpu.dma_semaphore, #tpu.memory_space<semaphore_mem>>) src(%dma_wait3A_508 : memref<8x1024xf32, #tpu.memory_space<hbm>>) dst(%arg11 : memref<8x1024xf32, #tpu.memory_space<vmem>>)
      %mul3A_509 = arith.constant 8 : i32
      %mul3A_510 = arith.muli %add3A_502, %mul3A_509 : i32
      %add3A_511 = arith.addi %mul3A_2, %mul3A_510 : i32
      %dma_start3A_512 = arith.constant 0 : i32
      %dma_start3A_513 = tpu.memref_slice %arg4[%add3A_511, %dma_start3A_512] : memref<32768x1024xf32, #tpu.memory_space<hbm>> -> memref<8x1024xf32, #tpu.memory_space<hbm>>
      %dma_start3A_514 = arith.constant 0 : i32
      %dma_start3A_515 = tpu.memref_slice %arg4[%add3A_511, %dma_start3A_514] : memref<32768x1024xf32, #tpu.memory_space<hbm>> -> memref<8x1024xf32, #tpu.memory_space<hbm>>
      tpu.enqueue_dma source(%arg11 : memref<8x1024xf32, #tpu.memory_space<vmem>>) target(%dma_start3A_515 : memref<8x1024xf32, #tpu.memory_space<hbm>>) target_semaphore(%arg27 : memref<!tpu.dma_semaphore, #tpu.memory_space<semaphore_mem>>)
      %dma_wait3A_516 = arith.constant 0 : i32
      %dma_wait3A_517 = tpu.memref_slice %arg4[%mul3A_2, %dma_wait3A_516] : memref<32768x1024xf32, #tpu.memory_space<hbm>> -> memref<8x1024xf32, #tpu.memory_space<hbm>>
      %dma_wait3A_518 = arith.constant 0 : i32
      %dma_wait3A_519 = tpu.memref_slice %arg4[%mul3A_2, %dma_wait3A_518] : memref<32768x1024xf32, #tpu.memory_space<hbm>> -> memref<8x1024xf32, #tpu.memory_space<hbm>>
      tpu.wait_dma2 semaphore(%arg26 : memref<!tpu.dma_semaphore, #tpu.memory_space<semaphore_mem>>) src(%arg10 : memref<8x1024xf32, #tpu.memory_space<vmem>>) dst(%dma_wait3A_519 : memref<8x1024xf32, #tpu.memory_space<hbm>>)
      %add3A_520 = arith.constant 8 : i32
      %add3A_521 = arith.addi %add3A_502, %add3A_520 : i32
      %sub3A_522 = arith.constant 1 : i32
      %sub3A_523 = arith.subi %add3A_521, %sub3A_522 : i32
      %mul3A_524 = arith.constant 8 : i32
      %mul3A_525 = arith.muli %sub3A_523, %mul3A_524 : i32
      %dma_start3A_526 = tpu.memref_slice %arg5[%mul3A_525] : memref<1024xi32, #tpu.memory_space<vmem>> -> memref<8xi32, #tpu.memory_space<vmem>>
      %dma_start3A_527 = arith.constant 0 : i32
      %dma_start3A_528 = arith.constant 0 : i32
      %dma_start3A_529 = tpu.memref_slice %arg3[%dma_start3A_527, %dma_start3A_528] : memref<8192x1024xf32, #tpu.memory_space<hbm>> -> memref<8192x1024xf32, #tpu.memory_space<hbm>>
      tpu.enqueue_indirect_dma source(%dma_start3A_529 : memref<8192x1024xf32, #tpu.memory_space<hbm>>) target(%arg10 : memref<8x1024xf32, #tpu.memory_space<vmem>>) offsets(%dma_start3A_526 : memref<8xi32, #tpu.memory_space<vmem>>) semaphore(%arg18 : memref<!tpu.dma_semaphore, #tpu.memory_space<semaphore_mem>>)
      %mul3A_530 = arith.constant 8 : i32
      %mul3A_531 = arith.muli %scan3A_343, %mul3A_530 : i32
      %add3A_532 = arith.constant 6 : i32
      %add3A_533 = arith.addi %mul3A_531, %add3A_532 : i32
      %dma_wait3A_534 = arith.constant 0 : i32
      %dma_wait3A_535 = arith.constant 0 : i32
      %dma_wait3A_536 = tpu.memref_slice %arg3[%dma_wait3A_534, %dma_wait3A_535] : memref<8192x1024xf32, #tpu.memory_space<hbm>> -> memref<8x1024xf32, #tpu.memory_space<hbm>>
      %dma_wait3A_537 = arith.constant 0 : i32
      %dma_wait3A_538 = arith.constant 0 : i32
      %dma_wait3A_539 = tpu.memref_slice %arg3[%dma_wait3A_537, %dma_wait3A_538] : memref<8192x1024xf32, #tpu.memory_space<hbm>> -> memref<8x1024xf32, #tpu.memory_space<hbm>>
      tpu.wait_dma2 semaphore(%arg20 : memref<!tpu.dma_semaphore, #tpu.memory_space<semaphore_mem>>) src(%dma_wait3A_539 : memref<8x1024xf32, #tpu.memory_space<hbm>>) dst(%arg12 : memref<8x1024xf32, #tpu.memory_space<vmem>>)
      %mul3A_540 = arith.constant 8 : i32
      %mul3A_541 = arith.muli %add3A_533, %mul3A_540 : i32
      %add3A_542 = arith.addi %mul3A_2, %mul3A_541 : i32
      %dma_start3A_543 = arith.constant 0 : i32
      %dma_start3A_544 = tpu.memref_slice %arg4[%add3A_542, %dma_start3A_543] : memref<32768x1024xf32, #tpu.memory_space<hbm>> -> memref<8x1024xf32, #tpu.memory_space<hbm>>
      %dma_start3A_545 = arith.constant 0 : i32
      %dma_start3A_546 = tpu.memref_slice %arg4[%add3A_542, %dma_start3A_545] : memref<32768x1024xf32, #tpu.memory_space<hbm>> -> memref<8x1024xf32, #tpu.memory_space<hbm>>
      tpu.enqueue_dma source(%arg12 : memref<8x1024xf32, #tpu.memory_space<vmem>>) target(%dma_start3A_546 : memref<8x1024xf32, #tpu.memory_space<hbm>>) target_semaphore(%arg28 : memref<!tpu.dma_semaphore, #tpu.memory_space<semaphore_mem>>)
      %dma_wait3A_547 = arith.constant 0 : i32
      %dma_wait3A_548 = tpu.memref_slice %arg4[%mul3A_2, %dma_wait3A_547] : memref<32768x1024xf32, #tpu.memory_space<hbm>> -> memref<8x1024xf32, #tpu.memory_space<hbm>>
      %dma_wait3A_549 = arith.constant 0 : i32
      %dma_wait3A_550 = tpu.memref_slice %arg4[%mul3A_2, %dma_wait3A_549] : memref<32768x1024xf32, #tpu.memory_space<hbm>> -> memref<8x1024xf32, #tpu.memory_space<hbm>>
      tpu.wait_dma2 semaphore(%arg27 : memref<!tpu.dma_semaphore, #tpu.memory_space<semaphore_mem>>) src(%arg11 : memref<8x1024xf32, #tpu.memory_space<vmem>>) dst(%dma_wait3A_550 : memref<8x1024xf32, #tpu.memory_space<hbm>>)
      %add3A_551 = arith.constant 8 : i32
      %add3A_552 = arith.addi %add3A_533, %add3A_551 : i32
      %sub3A_553 = arith.constant 1 : i32
      %sub3A_554 = arith.subi %add3A_552, %sub3A_553 : i32
      %mul3A_555 = arith.constant 8 : i32
      %mul3A_556 = arith.muli %sub3A_554, %mul3A_555 : i32
      %dma_start3A_557 = tpu.memref_slice %arg5[%mul3A_556] : memref<1024xi32, #tpu.memory_space<vmem>> -> memref<8xi32, #tpu.memory_space<vmem>>
      %dma_start3A_558 = arith.constant 0 : i32
      %dma_start3A_559 = arith.constant 0 : i32
      %dma_start3A_560 = tpu.memref_slice %arg3[%dma_start3A_558, %dma_start3A_559] : memref<8192x1024xf32, #tpu.memory_space<hbm>> -> memref<8192x1024xf32, #tpu.memory_space<hbm>>
      tpu.enqueue_indirect_dma source(%dma_start3A_560 : memref<8192x1024xf32, #tpu.memory_space<hbm>>) target(%arg11 : memref<8x1024xf32, #tpu.memory_space<vmem>>) offsets(%dma_start3A_557 : memref<8xi32, #tpu.memory_space<vmem>>) semaphore(%arg19 : memref<!tpu.dma_semaphore, #tpu.memory_space<semaphore_mem>>)
      %mul3A_561 = arith.constant 8 : i32
      %mul3A_562 = arith.muli %scan3A_343, %mul3A_561 : i32
      %add3A_563 = arith.constant 7 : i32
      %add3A_564 = arith.addi %mul3A_562, %add3A_563 : i32
      %dma_wait3A_565 = arith.constant 0 : i32
      %dma_wait3A_566 = arith.constant 0 : i32
      %dma_wait3A_567 = tpu.memref_slice %arg3[%dma_wait3A_565, %dma_wait3A_566] : memref<8192x1024xf32, #tpu.memory_space<hbm>> -> memref<8x1024xf32, #tpu.memory_space<hbm>>
      %dma_wait3A_568 = arith.constant 0 : i32
      %dma_wait3A_569 = arith.constant 0 : i32
      %dma_wait3A_570 = tpu.memref_slice %arg3[%dma_wait3A_568, %dma_wait3A_569] : memref<8192x1024xf32, #tpu.memory_space<hbm>> -> memref<8x1024xf32, #tpu.memory_space<hbm>>
      tpu.wait_dma2 semaphore(%arg21 : memref<!tpu.dma_semaphore, #tpu.memory_space<semaphore_mem>>) src(%dma_wait3A_570 : memref<8x1024xf32, #tpu.memory_space<hbm>>) dst(%arg13 : memref<8x1024xf32, #tpu.memory_space<vmem>>)
      %mul3A_571 = arith.constant 8 : i32
      %mul3A_572 = arith.muli %add3A_564, %mul3A_571 : i32
      %add3A_573 = arith.addi %mul3A_2, %mul3A_572 : i32
      %dma_start3A_574 = arith.constant 0 : i32
      %dma_start3A_575 = tpu.memref_slice %arg4[%add3A_573, %dma_start3A_574] : memref<32768x1024xf32, #tpu.memory_space<hbm>> -> memref<8x1024xf32, #tpu.memory_space<hbm>>
      %dma_start3A_576 = arith.constant 0 : i32
      %dma_start3A_577 = tpu.memref_slice %arg4[%add3A_573, %dma_start3A_576] : memref<32768x1024xf32, #tpu.memory_space<hbm>> -> memref<8x1024xf32, #tpu.memory_space<hbm>>
      tpu.enqueue_dma source(%arg13 : memref<8x1024xf32, #tpu.memory_space<vmem>>) target(%dma_start3A_577 : memref<8x1024xf32, #tpu.memory_space<hbm>>) target_semaphore(%arg29 : memref<!tpu.dma_semaphore, #tpu.memory_space<semaphore_mem>>)
      %dma_wait3A_578 = arith.constant 0 : i32
      %dma_wait3A_579 = tpu.memref_slice %arg4[%mul3A_2, %dma_wait3A_578] : memref<32768x1024xf32, #tpu.memory_space<hbm>> -> memref<8x1024xf32, #tpu.memory_space<hbm>>
      %dma_wait3A_580 = arith.constant 0 : i32
      %dma_wait3A_581 = tpu.memref_slice %arg4[%mul3A_2, %dma_wait3A_580] : memref<32768x1024xf32, #tpu.memory_space<hbm>> -> memref<8x1024xf32, #tpu.memory_space<hbm>>
      tpu.wait_dma2 semaphore(%arg28 : memref<!tpu.dma_semaphore, #tpu.memory_space<semaphore_mem>>) src(%arg12 : memref<8x1024xf32, #tpu.memory_space<vmem>>) dst(%dma_wait3A_581 : memref<8x1024xf32, #tpu.memory_space<hbm>>)
      %add3A_582 = arith.constant 8 : i32
      %add3A_583 = arith.addi %add3A_564, %add3A_582 : i32
      %sub3A_584 = arith.constant 1 : i32
      %sub3A_585 = arith.subi %add3A_583, %sub3A_584 : i32
      %mul3A_586 = arith.constant 8 : i32
      %mul3A_587 = arith.muli %sub3A_585, %mul3A_586 : i32
      %dma_start3A_588 = tpu.memref_slice %arg5[%mul3A_587] : memref<1024xi32, #tpu.memory_space<vmem>> -> memref<8xi32, #tpu.memory_space<vmem>>
      %dma_start3A_589 = arith.constant 0 : i32
      %dma_start3A_590 = arith.constant 0 : i32
      %dma_start3A_591 = tpu.memref_slice %arg3[%dma_start3A_589, %dma_start3A_590] : memref<8192x1024xf32, #tpu.memory_space<hbm>> -> memref<8192x1024xf32, #tpu.memory_space<hbm>>
      tpu.enqueue_indirect_dma source(%dma_start3A_591 : memref<8192x1024xf32, #tpu.memory_space<hbm>>) target(%arg12 : memref<8x1024xf32, #tpu.memory_space<vmem>>) offsets(%dma_start3A_588 : memref<8xi32, #tpu.memory_space<vmem>>) semaphore(%arg20 : memref<!tpu.dma_semaphore, #tpu.memory_space<semaphore_mem>>)
      %scan3A_592 = arith.constant 0 : i32
      scf.yield %scan3A_592 : i32
    }
    %scan3A_205 = arith.constant 14 : i32
    %dma_wait3A_206 = arith.constant 0 : i32
    %dma_wait3A_207 = arith.constant 0 : i32
    %dma_wait3A_208 = tpu.memref_slice %arg3[%dma_wait3A_206, %dma_wait3A_207] : memref<8192x1024xf32, #tpu.memory_space<hbm>> -> memref<8x1024xf32, #tpu.memory_space<hbm>>
    %dma_wait3A_209 = arith.constant 0 : i32
    %dma_wait3A_210 = arith.constant 0 : i32
    %dma_wait3A_211 = tpu.memref_slice %arg3[%dma_wait3A_209, %dma_wait3A_210] : memref<8192x1024xf32, #tpu.memory_space<hbm>> -> memref<8x1024xf32, #tpu.memory_space<hbm>>
    tpu.wait_dma2 semaphore(%arg14 : memref<!tpu.dma_semaphore, #tpu.memory_space<semaphore_mem>>) src(%dma_wait3A_211 : memref<8x1024xf32, #tpu.memory_space<hbm>>) dst(%arg6 : memref<8x1024xf32, #tpu.memory_space<vmem>>)
    %add3A_212 = arith.constant 960 : i32
    %add3A_213 = arith.addi %mul3A_2, %add3A_212 : i32
    %dma_start3A_214 = arith.constant 0 : i32
    %dma_start3A_215 = tpu.memref_slice %arg4[%add3A_213, %dma_start3A_214] : memref<32768x1024xf32, #tpu.memory_space<hbm>> -> memref<8x1024xf32, #tpu.memory_space<hbm>>
    %dma_start3A_216 = arith.constant 0 : i32
    %dma_start3A_217 = tpu.memref_slice %arg4[%add3A_213, %dma_start3A_216] : memref<32768x1024xf32, #tpu.memory_space<hbm>> -> memref<8x1024xf32, #tpu.memory_space<hbm>>
    tpu.enqueue_dma source(%arg6 : memref<8x1024xf32, #tpu.memory_space<vmem>>) target(%dma_start3A_217 : memref<8x1024xf32, #tpu.memory_space<hbm>>) target_semaphore(%arg22 : memref<!tpu.dma_semaphore, #tpu.memory_space<semaphore_mem>>)
    %dma_wait3A_218 = arith.constant 0 : i32
    %dma_wait3A_219 = tpu.memref_slice %arg4[%mul3A_2, %dma_wait3A_218] : memref<32768x1024xf32, #tpu.memory_space<hbm>> -> memref<8x1024xf32, #tpu.memory_space<hbm>>
    %dma_wait3A_220 = arith.constant 0 : i32
    %dma_wait3A_221 = tpu.memref_slice %arg4[%mul3A_2, %dma_wait3A_220] : memref<32768x1024xf32, #tpu.memory_space<hbm>> -> memref<8x1024xf32, #tpu.memory_space<hbm>>
    tpu.wait_dma2 semaphore(%arg29 : memref<!tpu.dma_semaphore, #tpu.memory_space<semaphore_mem>>) src(%arg13 : memref<8x1024xf32, #tpu.memory_space<vmem>>) dst(%dma_wait3A_221 : memref<8x1024xf32, #tpu.memory_space<hbm>>)
    %dma_start3A_222 = arith.constant 1016 : i32
    %dma_start3A_223 = tpu.memref_slice %arg5[%dma_start3A_222] : memref<1024xi32, #tpu.memory_space<vmem>> -> memref<8xi32, #tpu.memory_space<vmem>>
    %dma_start3A_224 = arith.constant 0 : i32
    %dma_start3A_225 = arith.constant 0 : i32
    %dma_start3A_226 = tpu.memref_slice %arg3[%dma_start3A_224, %dma_start3A_225] : memref<8192x1024xf32, #tpu.memory_space<hbm>> -> memref<8192x1024xf32, #tpu.memory_space<hbm>>
    tpu.enqueue_indirect_dma source(%dma_start3A_226 : memref<8192x1024xf32, #tpu.memory_space<hbm>>) target(%arg13 : memref<8x1024xf32, #tpu.memory_space<vmem>>) offsets(%dma_start3A_223 : memref<8xi32, #tpu.memory_space<vmem>>) semaphore(%arg21 : memref<!tpu.dma_semaphore, #tpu.memory_space<semaphore_mem>>)
    %dma_wait3A_227 = arith.constant 0 : i32
    %dma_wait3A_228 = arith.constant 0 : i32
    %dma_wait3A_229 = tpu.memref_slice %arg3[%dma_wait3A_227, %dma_wait3A_228] : memref<8192x1024xf32, #tpu.memory_space<hbm>> -> memref<8x1024xf32, #tpu.memory_space<hbm>>
    %dma_wait3A_230 = arith.constant 0 : i32
    %dma_wait3A_231 = arith.constant 0 : i32
    %dma_wait3A_232 = tpu.memref_slice %arg3[%dma_wait3A_230, %dma_wait3A_231] : memref<8192x1024xf32, #tpu.memory_space<hbm>> -> memref<8x1024xf32, #tpu.memory_space<hbm>>
    tpu.wait_dma2 semaphore(%arg15 : memref<!tpu.dma_semaphore, #tpu.memory_space<semaphore_mem>>) src(%dma_wait3A_232 : memref<8x1024xf32, #tpu.memory_space<hbm>>) dst(%arg7 : memref<8x1024xf32, #tpu.memory_space<vmem>>)
    %add3A_233 = arith.constant 968 : i32
    %add3A_234 = arith.addi %mul3A_2, %add3A_233 : i32
    %dma_start3A_235 = arith.constant 0 : i32
    %dma_start3A_236 = tpu.memref_slice %arg4[%add3A_234, %dma_start3A_235] : memref<32768x1024xf32, #tpu.memory_space<hbm>> -> memref<8x1024xf32, #tpu.memory_space<hbm>>
    %dma_start3A_237 = arith.constant 0 : i32
    %dma_start3A_238 = tpu.memref_slice %arg4[%add3A_234, %dma_start3A_237] : memref<32768x1024xf32, #tpu.memory_space<hbm>> -> memref<8x1024xf32, #tpu.memory_space<hbm>>
    tpu.enqueue_dma source(%arg7 : memref<8x1024xf32, #tpu.memory_space<vmem>>) target(%dma_start3A_238 : memref<8x1024xf32, #tpu.memory_space<hbm>>) target_semaphore(%arg23 : memref<!tpu.dma_semaphore, #tpu.memory_space<semaphore_mem>>)
    %dma_wait3A_239 = arith.constant 0 : i32
    %dma_wait3A_240 = arith.constant 0 : i32
    %dma_wait3A_241 = tpu.memref_slice %arg3[%dma_wait3A_239, %dma_wait3A_240] : memref<8192x1024xf32, #tpu.memory_space<hbm>> -> memref<8x1024xf32, #tpu.memory_space<hbm>>
    %dma_wait3A_242 = arith.constant 0 : i32
    %dma_wait3A_243 = arith.constant 0 : i32
    %dma_wait3A_244 = tpu.memref_slice %arg3[%dma_wait3A_242, %dma_wait3A_243] : memref<8192x1024xf32, #tpu.memory_space<hbm>> -> memref<8x1024xf32, #tpu.memory_space<hbm>>
    tpu.wait_dma2 semaphore(%arg16 : memref<!tpu.dma_semaphore, #tpu.memory_space<semaphore_mem>>) src(%dma_wait3A_244 : memref<8x1024xf32, #tpu.memory_space<hbm>>) dst(%arg8 : memref<8x1024xf32, #tpu.memory_space<vmem>>)
    %add3A_245 = arith.constant 976 : i32
    %add3A_246 = arith.addi %mul3A_2, %add3A_245 : i32
    %dma_start3A_247 = arith.constant 0 : i32
    %dma_start3A_248 = tpu.memref_slice %arg4[%add3A_246, %dma_start3A_247] : memref<32768x1024xf32, #tpu.memory_space<hbm>> -> memref<8x1024xf32, #tpu.memory_space<hbm>>
    %dma_start3A_249 = arith.constant 0 : i32
    %dma_start3A_250 = tpu.memref_slice %arg4[%add3A_246, %dma_start3A_249] : memref<32768x1024xf32, #tpu.memory_space<hbm>> -> memref<8x1024xf32, #tpu.memory_space<hbm>>
    tpu.enqueue_dma source(%arg8 : memref<8x1024xf32, #tpu.memory_space<vmem>>) target(%dma_start3A_250 : memref<8x1024xf32, #tpu.memory_space<hbm>>) target_semaphore(%arg24 : memref<!tpu.dma_semaphore, #tpu.memory_space<semaphore_mem>>)
    %dma_wait3A_251 = arith.constant 0 : i32
    %dma_wait3A_252 = arith.constant 0 : i32
    %dma_wait3A_253 = tpu.memref_slice %arg3[%dma_wait3A_251, %dma_wait3A_252] : memref<8192x1024xf32, #tpu.memory_space<hbm>> -> memref<8x1024xf32, #tpu.memory_space<hbm>>
    %dma_wait3A_254 = arith.constant 0 : i32
    %dma_wait3A_255 = arith.constant 0 : i32
    %dma_wait3A_256 = tpu.memref_slice %arg3[%dma_wait3A_254, %dma_wait3A_255] : memref<8192x1024xf32, #tpu.memory_space<hbm>> -> memref<8x1024xf32, #tpu.memory_space<hbm>>
    tpu.wait_dma2 semaphore(%arg17 : memref<!tpu.dma_semaphore, #tpu.memory_space<semaphore_mem>>) src(%dma_wait3A_256 : memref<8x1024xf32, #tpu.memory_space<hbm>>) dst(%arg9 : memref<8x1024xf32, #tpu.memory_space<vmem>>)
    %add3A_257 = arith.constant 984 : i32
    %add3A_258 = arith.addi %mul3A_2, %add3A_257 : i32
    %dma_start3A_259 = arith.constant 0 : i32
    %dma_start3A_260 = tpu.memref_slice %arg4[%add3A_258, %dma_start3A_259] : memref<32768x1024xf32, #tpu.memory_space<hbm>> -> memref<8x1024xf32, #tpu.memory_space<hbm>>
    %dma_start3A_261 = arith.constant 0 : i32
    %dma_start3A_262 = tpu.memref_slice %arg4[%add3A_258, %dma_start3A_261] : memref<32768x1024xf32, #tpu.memory_space<hbm>> -> memref<8x1024xf32, #tpu.memory_space<hbm>>
    tpu.enqueue_dma source(%arg9 : memref<8x1024xf32, #tpu.memory_space<vmem>>) target(%dma_start3A_262 : memref<8x1024xf32, #tpu.memory_space<hbm>>) target_semaphore(%arg25 : memref<!tpu.dma_semaphore, #tpu.memory_space<semaphore_mem>>)
    %dma_wait3A_263 = arith.constant 0 : i32
    %dma_wait3A_264 = arith.constant 0 : i32
    %dma_wait3A_265 = tpu.memref_slice %arg3[%dma_wait3A_263, %dma_wait3A_264] : memref<8192x1024xf32, #tpu.memory_space<hbm>> -> memref<8x1024xf32, #tpu.memory_space<hbm>>
    %dma_wait3A_266 = arith.constant 0 : i32
    %dma_wait3A_267 = arith.constant 0 : i32
    %dma_wait3A_268 = tpu.memref_slice %arg3[%dma_wait3A_266, %dma_wait3A_267] : memref<8192x1024xf32, #tpu.memory_space<hbm>> -> memref<8x1024xf32, #tpu.memory_space<hbm>>
    tpu.wait_dma2 semaphore(%arg18 : memref<!tpu.dma_semaphore, #tpu.memory_space<semaphore_mem>>) src(%dma_wait3A_268 : memref<8x1024xf32, #tpu.memory_space<hbm>>) dst(%arg10 : memref<8x1024xf32, #tpu.memory_space<vmem>>)
    %add3A_269 = arith.constant 992 : i32
    %add3A_270 = arith.addi %mul3A_2, %add3A_269 : i32
    %dma_start3A_271 = arith.constant 0 : i32
    %dma_start3A_272 = tpu.memref_slice %arg4[%add3A_270, %dma_start3A_271] : memref<32768x1024xf32, #tpu.memory_space<hbm>> -> memref<8x1024xf32, #tpu.memory_space<hbm>>
    %dma_start3A_273 = arith.constant 0 : i32
    %dma_start3A_274 = tpu.memref_slice %arg4[%add3A_270, %dma_start3A_273] : memref<32768x1024xf32, #tpu.memory_space<hbm>> -> memref<8x1024xf32, #tpu.memory_space<hbm>>
    tpu.enqueue_dma source(%arg10 : memref<8x1024xf32, #tpu.memory_space<vmem>>) target(%dma_start3A_274 : memref<8x1024xf32, #tpu.memory_space<hbm>>) target_semaphore(%arg26 : memref<!tpu.dma_semaphore, #tpu.memory_space<semaphore_mem>>)
    %dma_wait3A_275 = arith.constant 0 : i32
    %dma_wait3A_276 = arith.constant 0 : i32
    %dma_wait3A_277 = tpu.memref_slice %arg3[%dma_wait3A_275, %dma_wait3A_276] : memref<8192x1024xf32, #tpu.memory_space<hbm>> -> memref<8x1024xf32, #tpu.memory_space<hbm>>
    %dma_wait3A_278 = arith.constant 0 : i32
    %dma_wait3A_279 = arith.constant 0 : i32
    %dma_wait3A_280 = tpu.memref_slice %arg3[%dma_wait3A_278, %dma_wait3A_279] : memref<8192x1024xf32, #tpu.memory_space<hbm>> -> memref<8x1024xf32, #tpu.memory_space<hbm>>
    tpu.wait_dma2 semaphore(%arg19 : memref<!tpu.dma_semaphore, #tpu.memory_space<semaphore_mem>>) src(%dma_wait3A_280 : memref<8x1024xf32, #tpu.memory_space<hbm>>) dst(%arg11 : memref<8x1024xf32, #tpu.memory_space<vmem>>)
    %add3A_281 = arith.constant 1000 : i32
    %add3A_282 = arith.addi %mul3A_2, %add3A_281 : i32
    %dma_start3A_283 = arith.constant 0 : i32
    %dma_start3A_284 = tpu.memref_slice %arg4[%add3A_282, %dma_start3A_283] : memref<32768x1024xf32, #tpu.memory_space<hbm>> -> memref<8x1024xf32, #tpu.memory_space<hbm>>
    %dma_start3A_285 = arith.constant 0 : i32
    %dma_start3A_286 = tpu.memref_slice %arg4[%add3A_282, %dma_start3A_285] : memref<32768x1024xf32, #tpu.memory_space<hbm>> -> memref<8x1024xf32, #tpu.memory_space<hbm>>
    tpu.enqueue_dma source(%arg11 : memref<8x1024xf32, #tpu.memory_space<vmem>>) target(%dma_start3A_286 : memref<8x1024xf32, #tpu.memory_space<hbm>>) target_semaphore(%arg27 : memref<!tpu.dma_semaphore, #tpu.memory_space<semaphore_mem>>)
    %dma_wait3A_287 = arith.constant 0 : i32
    %dma_wait3A_288 = arith.constant 0 : i32
    %dma_wait3A_289 = tpu.memref_slice %arg3[%dma_wait3A_287, %dma_wait3A_288] : memref<8192x1024xf32, #tpu.memory_space<hbm>> -> memref<8x1024xf32, #tpu.memory_space<hbm>>
    %dma_wait3A_290 = arith.constant 0 : i32
    %dma_wait3A_291 = arith.constant 0 : i32
    %dma_wait3A_292 = tpu.memref_slice %arg3[%dma_wait3A_290, %dma_wait3A_291] : memref<8192x1024xf32, #tpu.memory_space<hbm>> -> memref<8x1024xf32, #tpu.memory_space<hbm>>
    tpu.wait_dma2 semaphore(%arg20 : memref<!tpu.dma_semaphore, #tpu.memory_space<semaphore_mem>>) src(%dma_wait3A_292 : memref<8x1024xf32, #tpu.memory_space<hbm>>) dst(%arg12 : memref<8x1024xf32, #tpu.memory_space<vmem>>)
    %add3A_293 = arith.constant 1008 : i32
    %add3A_294 = arith.addi %mul3A_2, %add3A_293 : i32
    %dma_start3A_295 = arith.constant 0 : i32
    %dma_start3A_296 = tpu.memref_slice %arg4[%add3A_294, %dma_start3A_295] : memref<32768x1024xf32, #tpu.memory_space<hbm>> -> memref<8x1024xf32, #tpu.memory_space<hbm>>
    %dma_start3A_297 = arith.constant 0 : i32
    %dma_start3A_298 = tpu.memref_slice %arg4[%add3A_294, %dma_start3A_297] : memref<32768x1024xf32, #tpu.memory_space<hbm>> -> memref<8x1024xf32, #tpu.memory_space<hbm>>
    tpu.enqueue_dma source(%arg12 : memref<8x1024xf32, #tpu.memory_space<vmem>>) target(%dma_start3A_298 : memref<8x1024xf32, #tpu.memory_space<hbm>>) target_semaphore(%arg28 : memref<!tpu.dma_semaphore, #tpu.memory_space<semaphore_mem>>)
    %dma_wait3A_299 = arith.constant 0 : i32
    %dma_wait3A_300 = arith.constant 0 : i32
    %dma_wait3A_301 = tpu.memref_slice %arg3[%dma_wait3A_299, %dma_wait3A_300] : memref<8192x1024xf32, #tpu.memory_space<hbm>> -> memref<8x1024xf32, #tpu.memory_space<hbm>>
    %dma_wait3A_302 = arith.constant 0 : i32
    %dma_wait3A_303 = arith.constant 0 : i32
    %dma_wait3A_304 = tpu.memref_slice %arg3[%dma_wait3A_302, %dma_wait3A_303] : memref<8192x1024xf32, #tpu.memory_space<hbm>> -> memref<8x1024xf32, #tpu.memory_space<hbm>>
    tpu.wait_dma2 semaphore(%arg21 : memref<!tpu.dma_semaphore, #tpu.memory_space<semaphore_mem>>) src(%dma_wait3A_304 : memref<8x1024xf32, #tpu.memory_space<hbm>>) dst(%arg13 : memref<8x1024xf32, #tpu.memory_space<vmem>>)
    %add3A_305 = arith.constant 1016 : i32
    %add3A_306 = arith.addi %mul3A_2, %add3A_305 : i32
    %dma_start3A_307 = arith.constant 0 : i32
    %dma_start3A_308 = tpu.memref_slice %arg4[%add3A_306, %dma_start3A_307] : memref<32768x1024xf32, #tpu.memory_space<hbm>> -> memref<8x1024xf32, #tpu.memory_space<hbm>>
    %dma_start3A_309 = arith.constant 0 : i32
    %dma_start3A_310 = tpu.memref_slice %arg4[%add3A_306, %dma_start3A_309] : memref<32768x1024xf32, #tpu.memory_space<hbm>> -> memref<8x1024xf32, #tpu.memory_space<hbm>>
    tpu.enqueue_dma source(%arg13 : memref<8x1024xf32, #tpu.memory_space<vmem>>) target(%dma_start3A_310 : memref<8x1024xf32, #tpu.memory_space<hbm>>) target_semaphore(%arg29 : memref<!tpu.dma_semaphore, #tpu.memory_space<semaphore_mem>>)
    %dma_wait3A_311 = arith.constant 0 : i32
    %dma_wait3A_312 = tpu.memref_slice %arg4[%mul3A_2, %dma_wait3A_311] : memref<32768x1024xf32, #tpu.memory_space<hbm>> -> memref<8x1024xf32, #tpu.memory_space<hbm>>
    %dma_wait3A_313 = arith.constant 0 : i32
    %dma_wait3A_314 = tpu.memref_slice %arg4[%mul3A_2, %dma_wait3A_313] : memref<32768x1024xf32, #tpu.memory_space<hbm>> -> memref<8x1024xf32, #tpu.memory_space<hbm>>
    tpu.wait_dma2 semaphore(%arg22 : memref<!tpu.dma_semaphore, #tpu.memory_space<semaphore_mem>>) src(%arg6 : memref<8x1024xf32, #tpu.memory_space<vmem>>) dst(%dma_wait3A_314 : memref<8x1024xf32, #tpu.memory_space<hbm>>)
    %dma_wait3A_315 = arith.constant 0 : i32
    %dma_wait3A_316 = tpu.memref_slice %arg4[%mul3A_2, %dma_wait3A_315] : memref<32768x1024xf32, #tpu.memory_space<hbm>> -> memref<8x1024xf32, #tpu.memory_space<hbm>>
    %dma_wait3A_317 = arith.constant 0 : i32
    %dma_wait3A_318 = tpu.memref_slice %arg4[%mul3A_2, %dma_wait3A_317] : memref<32768x1024xf32, #tpu.memory_space<hbm>> -> memref<8x1024xf32, #tpu.memory_space<hbm>>
    tpu.wait_dma2 semaphore(%arg23 : memref<!tpu.dma_semaphore, #tpu.memory_space<semaphore_mem>>) src(%arg7 : memref<8x1024xf32, #tpu.memory_space<vmem>>) dst(%dma_wait3A_318 : memref<8x1024xf32, #tpu.memory_space<hbm>>)
    %dma_wait3A_319 = arith.constant 0 : i32
    %dma_wait3A_320 = tpu.memref_slice %arg4[%mul3A_2, %dma_wait3A_319] : memref<32768x1024xf32, #tpu.memory_space<hbm>> -> memref<8x1024xf32, #tpu.memory_space<hbm>>
    %dma_wait3A_321 = arith.constant 0 : i32
    %dma_wait3A_322 = tpu.memref_slice %arg4[%mul3A_2, %dma_wait3A_321] : memref<32768x1024xf32, #tpu.memory_space<hbm>> -> memref<8x1024xf32, #tpu.memory_space<hbm>>
    tpu.wait_dma2 semaphore(%arg24 : memref<!tpu.dma_semaphore, #tpu.memory_space<semaphore_mem>>) src(%arg8 : memref<8x1024xf32, #tpu.memory_space<vmem>>) dst(%dma_wait3A_322 : memref<8x1024xf32, #tpu.memory_space<hbm>>)
    %dma_wait3A_323 = arith.constant 0 : i32
    %dma_wait3A_324 = tpu.memref_slice %arg4[%mul3A_2, %dma_wait3A_323] : memref<32768x1024xf32, #tpu.memory_space<hbm>> -> memref<8x1024xf32, #tpu.memory_space<hbm>>
    %dma_wait3A_325 = arith.constant 0 : i32
    %dma_wait3A_326 = tpu.memref_slice %arg4[%mul3A_2, %dma_wait3A_325] : memref<32768x1024xf32, #tpu.memory_space<hbm>> -> memref<8x1024xf32, #tpu.memory_space<hbm>>
    tpu.wait_dma2 semaphore(%arg25 : memref<!tpu.dma_semaphore, #tpu.memory_space<semaphore_mem>>) src(%arg9 : memref<8x1024xf32, #tpu.memory_space<vmem>>) dst(%dma_wait3A_326 : memref<8x1024xf32, #tpu.memory_space<hbm>>)
    %dma_wait3A_327 = arith.constant 0 : i32
    %dma_wait3A_328 = tpu.memref_slice %arg4[%mul3A_2, %dma_wait3A_327] : memref<32768x1024xf32, #tpu.memory_space<hbm>> -> memref<8x1024xf32, #tpu.memory_space<hbm>>
    %dma_wait3A_329 = arith.constant 0 : i32
    %dma_wait3A_330 = tpu.memref_slice %arg4[%mul3A_2, %dma_wait3A_329] : memref<32768x1024xf32, #tpu.memory_space<hbm>> -> memref<8x1024xf32, #tpu.memory_space<hbm>>
    tpu.wait_dma2 semaphore(%arg26 : memref<!tpu.dma_semaphore, #tpu.memory_space<semaphore_mem>>) src(%arg10 : memref<8x1024xf32, #tpu.memory_space<vmem>>) dst(%dma_wait3A_330 : memref<8x1024xf32, #tpu.memory_space<hbm>>)
    %dma_wait3A_331 = arith.constant 0 : i32
    %dma_wait3A_332 = tpu.memref_slice %arg4[%mul3A_2, %dma_wait3A_331] : memref<32768x1024xf32, #tpu.memory_space<hbm>> -> memref<8x1024xf32, #tpu.memory_space<hbm>>
    %dma_wait3A_333 = arith.constant 0 : i32
    %dma_wait3A_334 = tpu.memref_slice %arg4[%mul3A_2, %dma_wait3A_333] : memref<32768x1024xf32, #tpu.memory_space<hbm>> -> memref<8x1024xf32, #tpu.memory_space<hbm>>
    tpu.wait_dma2 semaphore(%arg27 : memref<!tpu.dma_semaphore, #tpu.memory_space<semaphore_mem>>) src(%arg11 : memref<8x1024xf32, #tpu.memory_space<vmem>>) dst(%dma_wait3A_334 : memref<8x1024xf32, #tpu.memory_space<hbm>>)
    %dma_wait3A_335 = arith.constant 0 : i32
    %dma_wait3A_336 = tpu.memref_slice %arg4[%mul3A_2, %dma_wait3A_335] : memref<32768x1024xf32, #tpu.memory_space<hbm>> -> memref<8x1024xf32, #tpu.memory_space<hbm>>
    %dma_wait3A_337 = arith.constant 0 : i32
    %dma_wait3A_338 = tpu.memref_slice %arg4[%mul3A_2, %dma_wait3A_337] : memref<32768x1024xf32, #tpu.memory_space<hbm>> -> memref<8x1024xf32, #tpu.memory_space<hbm>>
    tpu.wait_dma2 semaphore(%arg28 : memref<!tpu.dma_semaphore, #tpu.memory_space<semaphore_mem>>) src(%arg12 : memref<8x1024xf32, #tpu.memory_space<vmem>>) dst(%dma_wait3A_338 : memref<8x1024xf32, #tpu.memory_space<hbm>>)
    %dma_wait3A_339 = arith.constant 0 : i32
    %dma_wait3A_340 = tpu.memref_slice %arg4[%mul3A_2, %dma_wait3A_339] : memref<32768x1024xf32, #tpu.memory_space<hbm>> -> memref<8x1024xf32, #tpu.memory_space<hbm>>
    %dma_wait3A_341 = arith.constant 0 : i32
    %dma_wait3A_342 = tpu.memref_slice %arg4[%mul3A_2, %dma_wait3A_341] : memref<32768x1024xf32, #tpu.memory_space<hbm>> -> memref<8x1024xf32, #tpu.memory_space<hbm>>
    tpu.wait_dma2 semaphore(%arg29 : memref<!tpu.dma_semaphore, #tpu.memory_space<semaphore_mem>>) src(%arg13 : memref<8x1024xf32, #tpu.memory_space<vmem>>) dst(%dma_wait3A_342 : memref<8x1024xf32, #tpu.memory_space<hbm>>)
    return
  }
}

</mosaic_0001>

<sc_bundles>
// kernel: kernel.3.cloned.1.call-start
scs
__scs_entry_jumppad:
0x0: {  	(pc) =	sbr.rel $0x88, $3  }
0x1: {  	(tag) =	ssettag $0x0;
	lr =	simm.s32 $0x1  }
0x2: {  	[smem:$0x3F9F] =	sst lr;
	_ =	strace $0xD0000000  }
0x3: {  	_ = 	snop  }
0x4: {  	_ = 	snop  }
0x5: {  	_ = 	snop  }
0x6: {  	_ = 	snop  }
0x7: {  	_ = 	snop  }
__scs_overlays_trampoline_lowered:
0x8: {  	[smem:$0x3FAE] =	sst s0  }
0x9: {  	[smem:$0x3FAF] =	sst s1  }
0xa: {  	[smem:$0x3FB0] =	sst s2  }
0xb: {  	[smem:$0x3FB1] =	sst s3  }
0xc: {  	[smem:$0x3FB2] =	sst s4  }
0xd: {  	[smem:$0x3FB3] =	sst s5  }
0xe: {  	[smem:$0x3FB4] =	sst s6  }
0xf: {  	[smem:$0x3FB5] =	sst s7  }
0x10: {  	[smem:$0x3FB6] =	sst s8  }
0x11: {  	[smem:$0x3FB7] =	sst s9;
	s0 =	simm.s32 @!p0 $0x0  }
0x12: {  	s1 =	sld [smem:$0x3F9D];
	s0 =	simm.s32 @p0 $0x1  }
0x13: {  	[smem:$0x3FB8] =	sst s0;
	s0 =	simm.s32 @!p1 $0x0  }
0x14: {  	s2 =	sld [smem:$0x3F9C];
	s0 =	simm.s32 @p1 $0x1  }
0x15: {  	[smem:$0x3FB9] =	sst s0;
	s0 =	simm.s32 @!p2 $0x0  }
0x16: {  	s3 =	sld [smem:$0x3FDB];
	s0 =	simm.s32 @p2 $0x1  }
0x17: {  	s4 =	simm.s32 $0x1BF5;
	[smem:$0x3FBB] =	sst s0  }
0x18: {  	s0 =	sld [smem:$0x3F9E];
	_ =	swait.ge [sflag:s4], $0x0  }
0x19: {  	s7 =	sld [smem:$0x3F9F]  }
0x1a: {  	s8 =	sadd.s32 $0xFFFFE003, lr  }
0x1b: {  	s9 =	sadd.s32 $0xFFFFFEF7, lr;
	s5 =	simm.s32 $0xFFFFFFFF;
	p2 =	slt.u32 s8, $0xFFFFF086  }
0x1c: {  	p1 =	slt.u32 s9, $0xF7A;
	s5 =	simm.s32 @!p2 $0x0  }
0x1d: {  	s5 =	simm.s32 @p1 $0x1;
	p0 =	seq.s32 s7, s2  }
0x1e: {  	s7 =	smul.u32 @!p0 $0xF7A, s2;
	p2 =	seq.s32 @!p0 s5, $0x0  }
0x1f: {  	s9 =	smul.u32 $0xF7A, s1;
	s8 =	simm.s32 @!p0 $0x1BF5;
	p2 =	por !p2, p0  }
0x20: {  	[sflag:s8] =	ssyncset.s32 @!p0 $0xFFFFF086;
	s6 =	sadd.s32 @!p0 s3, s7;
	s7 =	simm.s32 @!p0 $0x108  }
0x21: {  	s3 =	sadd.s32 s3, s9;
	s6 =	sadd.s32 @!p0 $0x88, s6;
	s7 =	simm.s32 @p2 $0x1082  }
0x22: {  	[simem:s7], [sflag:s8] =	dma.local @!p0 [hbm:s6], $0xF7A  }
0x23: {  	s9 =	sor.u32 $0xD0000000, s2;
	s6 =	simm.s32 $0x108;
	_ =	swait.ge @!p0 [sflag:s8], $0x0  }
0x24: {  	s3 =	sadd.s32 $0x88, s3;
	s6 =	simm.s32 @!p1 $0x1082;
	[sflag:s4] =	ssyncset.s32 $0xFFFFF086  }
0x25: {  	[simem:s6], [sflag:s4] =	dma.local [hbm:s3], $0xF7A  }
0x26: {  	[smem:$0x3F9F] =	sst s1;
	(tag) =	ssettag s2;
	_ =	strace s9  }
0x27: {  	s1 =	sld [smem:$0x3FAF]  }
0x28: {  	s2 =	sld [smem:$0x3FB0]  }
0x29: {  	s4 =	sld [smem:$0x3FB2]  }
0x2a: {  	p0 =	seq.s32 s5, $0x0;
	s5 =	sld [smem:$0x3FB3]  }
0x2b: {  	s6 =	sld [smem:$0x3FB4]  }
0x2c: {  	s7 =	sld [smem:$0x3FB5]  }
0x2d: {  	s3 =	simm.s32 $0x108;
	s8 =	sld [smem:$0x3FB6]  }
0x2e: {  	s3 =	simm.s32 @!p0 $0x1082;
	s9 =	sld [smem:$0x3FB7]  }
0x2f: {  	lr =	sadd.s32 s0, s3;
	s0 =	sld [smem:$0x3FAE]  }
0x30: {  	s3 =	sld [smem:$0x3FB1]  }
0x31: {  	[smem:$0x3FBA] =	sst s10  }
0x32: {  	s10 =	sld [smem:$0x3FB8];
	_ =	sdelay $0x3  }
0x33: {  	p0 =	seq.s32 s10, $0x1;
	s10 =	sld [smem:$0x3FBA];
	_ =	sdelay $0x3  }
0x34: {  	[smem:$0x3FBA] =	sst s10  }
0x35: {  	s10 =	sld [smem:$0x3FB9];
	_ =	sdelay $0x3  }
0x36: {  	p1 =	seq.s32 s10, $0x1;
	s10 =	sld [smem:$0x3FBA];
	_ =	sdelay $0x3  }
0x37: {  	[smem:$0x3FBA] =	sst s10  }
0x38: {  	s10 =	sld [smem:$0x3FBB]  }
0x39: {  	_ = 	snop;
	(pc) =	sbr.ind lr, $3  }
0x3a: {  	_ = 	snop  }
0x3b: {  	_ = 	snop  }
0x3c: {  	p2 =	seq.s32 s10, $0x1;
	s10 =	sld [smem:$0x3FBA]  }
0x3d: {  	_ =	shalt  }
0x3e: {  	_ =	shalt  }
0x3f: {  	_ =	shalt  }
0x40: {  	_ =	shalt  }
0x41: {  	_ =	shalt  }
0x42: {  	_ =	shalt  }
0x43: {  	_ =	shalt  }
0x44: {  	_ =	shalt  }
0x45: {  	_ =	shalt  }
0x46: {  	_ =	shalt  }
0x47: {  	_ =	shalt  }
0x48: {  	_ =	shalt  }
0x49: {  	_ =	shalt  }
0x4a: {  	_ =	shalt  }
0x4b: {  	_ =	shalt  }
0x4c: {  	_ =	shalt  }
0x4d: {  	_ =	shalt  }
0x4e: {  	_ =	shalt  }
0x4f: {  	_ =	shalt  }
0x50: {  	_ =	shalt  }
0x51: {  	_ =	shalt  }
0x52: {  	_ =	shalt  }
0x53: {  	_ =	shalt  }
0x54: {  	_ =	shalt  }
0x55: {  	_ =	shalt  }
0x56: {  	_ =	shalt  }
0x57: {  	_ =	shalt  }
0x58: {  	_ =	shalt  }
0x59: {  	_ =	shalt  }
0x5a: {  	_ =	shalt  }
0x5b: {  	_ =	shalt  }
0x5c: {  	_ =	shalt  }
0x5d: {  	_ =	shalt  }
0x5e: {  	_ =	shalt  }
0x5f: {  	_ =	shalt  }
0x60: {  	_ =	shalt  }
0x61: {  	_ =	shalt  }
0x62: {  	_ =	shalt  }
0x63: {  	_ =	shalt  }
0x64: {  	_ =	shalt  }
0x65: {  	_ =	shalt  }
0x66: {  	_ =	shalt  }
0x67: {  	_ =	shalt  }
0x68: {  	_ =	shalt  }
0x69: {  	_ =	shalt  }
0x6a: {  	_ =	shalt  }
0x6b: {  	_ =	shalt  }
0x6c: {  	_ =	shalt  }
0x6d: {  	_ =	shalt  }
0x6e: {  	_ =	shalt  }
0x6f: {  	_ =	shalt  }
0x70: {  	_ =	shalt  }
0x71: {  	_ =	shalt  }
0x72: {  	_ =	shalt  }
0x73: {  	_ =	shalt  }
0x74: {  	_ =	shalt  }
0x75: {  	_ =	shalt  }
0x76: {  	_ =	shalt  }
0x77: {  	_ =	shalt  }
0x78: {  	_ =	shalt  }
0x79: {  	_ =	shalt  }
0x7a: {  	_ =	shalt  }
0x7b: {  	_ =	shalt  }
0x7c: {  	_ =	shalt  }
0x7d: {  	_ =	shalt  }
0x7e: {  	_ =	shalt  }
0x7f: {  	_ =	shalt  }
0x80: {  	_ =	shalt  }
0x81: {  	_ =	shalt  }
0x82: {  	_ =	shalt  }
0x83: {  	_ =	shalt  }
0x84: {  	_ =	shalt  }
0x85: {  	_ =	shalt  }
0x86: {  	_ =	shalt  }
0x87: {  	_ =	shalt  }
.Lfunc_end0:
.L_simem_size_0:
called_computation_lowered:
.L_overlay_start_0:
0x88: {  	s2 =	sld [smem:$0x3FD9]  }
0x89: {  	s3 =	sld [smem:$0x3FFE];
	_ =	sdelay $0x1  }
0x8a: {  	s1 =	srdreg.scid  }
0x8b: {  	s0 =	sand.u32 $0x1, s1  }
0x8c: {  	s17 =	sshll.u32 s0, $0xA;
	s2 =	sadd.s32 s3, s2  }
0x8d: {  	s2 =	sadd.s32 s2, s17  }
0x8e: {  	[smem:$0x3FC6] =	sst s2  }
0x8f: {  	_ = 	snop  }
0x90: {  	s2 =	sld [smem:$0x3FC8]  }
0x91: {  	s18 =	sld [smem:$0x3FD0];
	(tm) =	ssettm $0x1  }
0x92: {  	s4 =	sld [smem:$0x3FFB];
	_ =	sdelay $0x3  }
0x93: {  	_ =	strace s4  }
0x94: {  	s4 =	sld [smem:$0x3FFC];
	_ =	sdelay $0x3  }
0x95: {  	_ =	strace s4  }
0x96: {  	s4 =	sld [smem:$0x3FFD];
	_ =	sdelay $0x3  }
0x97: {  	_ =	strace s4  }
0x98: {  	_ =	strace $0x8FFFFFFF  }
0x99: {  	s19 =	sld [smem:$0x3FDB];
	_ =	sdelay $0x1  }
0x9a: {  	s5 =	simm.s32 $_scs_section_size  }
0x9b: {  	s6 =	simm.s32 $_size__tile_overlayer_lowered;
	s7 =	simm.s32 $_tile_overlayer_lowered  }
0x9c: {  	s22 =	simm.s32 $0x1BFF;
	s21 =	sshll.u32 s7, $0x1;
	s4 =	sadd.s32 s5, s19  }
0x9d: {  	s8 =	simm.s32 $0x0;
	s20 =	sshll.u32 s6, $0x1;
	s6 =	sadd.s32 s21, s4  }
0x9e: {  	[timem:s8], [sflag:s22] =	dma.local [hbm:s6], s20  }
0x9f: {  	_ =	swait.ge [sflag:s22], s20  }
0xa0: {  	s5 =	ssub.s32 $0x0, s20;
	[sflag:s22] =	ssyncset.done $0x0  }
0xa1: {  	[sflag:s22] =	ssyncadd.s32 s5;
	_ =	sdelay $0x1  }
0xa2: {  	s23 =	simm.s32 $0x1B8B  }
0xa3: {  	_ =	swait.ge [sflag:s23], $0x1  }
0xa4: {  	[sflag:s23] =	ssyncset.done $0x0  }
0xa5: {  	s25 =	simm.s32 $0x1B8E;
	s24 =	sld [smem:$0x3FFE];
	[sflag:s23] =	ssyncadd.s32 $0xFFFFFFFF  }
0xa6: {  	s26 =	simm.s32 $execute0_lowered;
	[smem:$0x3FD2] =	sst s25  }
0xa7: {  	s6 =	sshll.u32 s26, $0x1;
	_ =	strace $0x80000046;
	[dreg:$0x1] =	wrdreg $0xFFFFFFFF  }
0xa8: {  	s28 =	simm.s32 $_size_execute0_lowered;
	s4 =	sadd.s32 s4, s6;
	[dreg:$0x0] =	wrdreg $0x0  }
0xa9: {  	s6 =	sshll.u32 s28, $0x1;
	[dreg:$0x2] =	wrdreg s4  }
0xaa: {  	[dreg:$0x3] =	wrdreg s6  }
0xab: {  	[dreg:$0x4] =	wrdreg $0xC0  }
0xac: {  	_ =	task [dreg:s8], $0x5FFFF  }
0xad: {  	[dreg:$0x1] =	wrdreg $0xFFFFFFFF  }
0xae: {  	[dreg:$0x0] =	wrdreg $0x60  }
0xaf: {  	[dreg:$0x2] =	wrdreg s24  }
0xb0: {  	[dreg:$0x3] =	wrdreg s2  }
0xb1: {  	[dreg:$0x4] =	wrdreg s18  }
0xb2: {  	[dreg:$0x5] =	wrdreg $0x9  }
0xb3: {  	_ =	task.clear_ibuf [dreg:s8], $0x6FFFF;
	_ =	strace $0x90000046  }
0xb4: {  	s29 =	simm.s32 $0x9;
	_ =	strace $0x80000048  }
0xb5: {  	_ =	swait.ge [sflag:s29], $0x1  }
0xb6: {  	[sflag:s29] =	ssyncadd.s32 $0xFFFFFFFF  }
0xb7: {  	_ =	strace $0x90000048  }
0xb8: {  	_ =	sfence  }
0xb9: {  	s30 =	sld [smem:$0x0];
	_ =	sdelay $0x2  }
0xba: {  	s31 =	sshll.u32 s1, $0xD;
	s1 =	sshrl.u32 s1, $0x2  }
0xbb: {  	s3 =	sand.u32 $0x4000, s31;
	s1 =	sadd.s32 s1, s30  }
0xbc: {  	s0 =	sor.u32 s3, s0;
	s1 =	sshll.u32 s1, $0x11  }
0xbd: {  	s0 =	sor.u32 s1, s0  }
0xbe: {  	s0 =	sadd.s32 $0x8F2B, s0  }
0xbf: {  	[sflag:s0] =	ssyncadd.remote.s32 $0x1  }
0xc0: {  	_ =	sfence.sel $0xFFFF  }
0xc1: {  	[dreg:$0x0] =	wrdreg $0xFFFFFFFF;
	(pc) =	sbr.abs _section_cstart, $3  }
0xc2: {  	[dreg:$0x1] =	wrdreg $0xFFFFFFFF  }
0xc3: {  	_ =	task.clear_ibuf [dreg:s8], $0x2FFFF;
	_ =	strace $0x9FFFFFFF  }
0xc4: {  	(tm) =	ssettm $0x7FFFFFFF  }
0xc5: {  	_ =	shalt  }
tec
execute0_lowered:
.L_overlay_start_1:
0x0: {  	(tag) =	ssettag $0x1  }
0x1: {  	s0 =	rddreg [dreg:$0x0]  }
0x2: {  	s1 =	srdreg.scid;
	s2 =	rddreg [dreg:$0x1]  }
0x3: {  	s9 =	stileid.u32;
	s4 =	rddreg [dreg:$0x2];
	s1 =	sand.u32 $0x1, s1  }
0x4: {  	s3 =	simm.s32 $0x0;
	s5 =	sshll.u32 s9, $0xB;
	s6 =	sshll.u32 s1, $0xA  }
0x5: {  	[smem:$0x7FF] =	sst s3;
	s7 =	ssub.s32 $0x2, s1;
	s5 =	sor.u32 s6, s5  }
0x6: {  	_ =	strace $0x80000047;
	s10 =	sshrl.u32 s7, $0x1;
	s11 =	sshll.u32 s5, $0x7  }
0x7: {  	s6 =	sshrl.u32 s5, $0x3;
	s7 =	ssub.s32 s7, s10;
	s10 =	sadd.s32 s4, s11  }
0x8: {  	s0 =	sadd.s32 s6, s0;
	s31 =	smax.u32 s7, $0x1;
	[dreg:$0x6] =	wrdreg s10  }
0x9: {  	s0 =	sadd.s32 $0x400, s0;
	[dreg:$0x16] =	wrdreg s31  }
0xa: {  	s12 =	sadd.s32 $0x800, s10;
	[dreg:$0x5] =	wrdreg s0  }
0xb: {  	s13 =	sadd.s32 $0xC00, s10;
	[dreg:$0x8] =	wrdreg s12  }
0xc: {  	s14 =	sadd.s32 $0x1000, s10;
	[dreg:$0x9] =	wrdreg s13  }
0xd: {  	s30 =	simm.s32 $0x6C00;
	s15 =	sadd.s32 $0x1400, s10;
	[dreg:$0xa] =	wrdreg s14  }
0xe: {  	s28 =	simm.s32 $0x8;
	s16 =	sadd.s32 $0x1800, s10;
	[dreg:$0xb] =	wrdreg s15  }
0xf: {  	s29 =	simm.s32 $0xF;
	s17 =	sadd.s32 $0x1C00, s10;
	[dreg:$0xc] =	wrdreg s16  }
0x10: {  	s8 =	sadd.s32 $0x300, s2;
	s18 =	sadd.s32 $0x1E000, s10;
	[dreg:$0xd] =	wrdreg s17  }
0x11: {  	s24 =	sshll.u32 s9, $0x12;
	s19 =	sadd.s32 $0x1E400, s10;
	[dreg:$0xe] =	wrdreg s18  }
0x12: {  	s1 =	sshll.u32 s1, $0x11;
	s20 =	sadd.s32 $0x1E800, s10;
	[dreg:$0xf] =	wrdreg s19  }
0x13: {  	s5 =	sadd.s32 $0x100, s2;
	s21 =	sadd.s32 $0x1EC00, s10;
	[dreg:$0x10] =	wrdreg s20  }
0x14: {  	s6 =	sadd.s32 $0x200, s2;
	s22 =	sadd.s32 $0x1F000, s10;
	[dreg:$0x11] =	wrdreg s21  }
0x15: {  	s11 =	simm.s32 $0x9400;
	s23 =	sadd.s32 $0x1F400, s10;
	[dreg:$0x12] =	wrdreg s22  }
0x16: {  	s7 =	simm.s32 $0x0;
	s25 =	sadd.s32 $0x1F800, s10;
	[dreg:$0x13] =	wrdreg s23  }
0x17: {  	s26 =	sadd.s32 $0x1FC00, s10;
	s0 =	sadd.s32 $0x400, s10;
	[dreg:$0x14] =	wrdreg s25  }
0x18: {  	[dreg:$0x15] =	wrdreg s26;
	s13 =	simm.s32 $0xC00;
	s10 =	simm.s32 $0x1400  }
0x19: {  	s17 =	simm.s32 $0x1C00;
	s21 =	simm.s32 $0x3400;
	s26 =	simm.s32 $0x3C00  }
0x1a: {  	s12 =	simm.s32 $0x8C00;
	s14 =	simm.s32 $0xAC00;
	s15 =	simm.s32 $0xCC00  }
0x1b: {  	s19 =	simm.s32 $0x5;
	s20 =	simm.s32 $0xC;
	s22 =	simm.s32 $0x6  }
0x1c: {  	v0 =	vlaneseq.u32;
	s23 =	simm.s32 $0xD;
	[dreg:$0x7] =	wrdreg s0;
	s0 =	sadd.s32 s24, s4  }
0x1d: {  	v1 =	vshrl.u32 v0, $0x3;
	s25 =	simm.s32 $0xE;
	s24 =	simm.s32 $0x7;
	s0 =	sadd.s32 s1, s0  }
0x1e: {  	vm0 =	vmmov $0xffff;
	v0 =	vand.u32 $0x7, v0;
	v1 =	vmul.u32 $0x8, v1;
	s1 =	simm.s32 $0x2C00;
	[dreg:$0x4] =	wrdreg s0;
	s0 =	simm.s32 $0x10  }
.LBB2_1:
0x1f: {  	[dreg:$0x17] =	wrdreg s7  }
0x20: {  	s4 =	rddreg [dreg:$0x5];
	s16 =	simm.s32 $0x11  }
0x21: {  	[tilespmem:s3], [sflag:$0x11] =	stream.linear.gather [hbm4b:s4+s3], $0x400, $0x38;
	[tilespmem:$0x10400] =	vst v63  }
0x22: {  	_ =	swait.ge [sflag:s16], $0x400  }
0x23: {  	[sflag:s16] =	ssyncset.done $0x0  }
0x24: {  	[sflag:s16] =	ssyncadd.s32 $0xFFFFFC00  }
0x25: {  	v2 =	vld.msk [tilespmem:$0x0], $0xff;
	_ =	sdelay $0x4  }
0x26: {  	v3 =	vshll.u32 v2, $0x3  }
0x27: {  	v2 =	vand.u32 $0x7, v2;
	v3 =	vand.u32 $0xFFFFFFC0, v3  }
0x28: {  	v2 =	vor.u32 v2, v3  }
0x29: {  	v2 =	vperm.xlane v2, v0;
	_ =	sdelay $0x1  }
0x2a: {  	v2 =	vadd.s32 v1, v2;
	_ =	sdelay $0x3  }
0x2b: {  	s9 =	simm.s32 $0x400  }
0x2c: {  	[tilespmem:s9], [sflag:$0x1] =	stream.indirect_vreg.gather [hbm4b:s2+s3], $0x80, v2, vm0, $0xb8;
	[tilespmem:$0x10400] =	vst v63  }
0x2d: {  	_ = 	snop  }
0x2e: {  	[tilespmem:s13], [sflag:$0x1] =	stream.indirect_vreg.gather [hbm4b:s5+s3], $0x80, v2, vm0, $0xb8;
	[tilespmem:$0x10400] =	vst v63  }
0x2f: {  	_ = 	snop  }
0x30: {  	[tilespmem:s10], [sflag:$0x1] =	stream.indirect_vreg.gather [hbm4b:s6+s3], $0x80, v2, vm0, $0xb8;
	[tilespmem:$0x10400] =	vst v63  }
0x31: {  	_ = 	snop  }
0x32: {  	[tilespmem:s17], [sflag:$0x1] =	stream.indirect_vreg.gather [hbm4b:s8+s3], $0x80, v2, vm0, $0xb8;
	[tilespmem:$0x10400] =	vst v63  }
0x33: {  	v2 =	vld.msk [tilespmem:$0x8], $0xff;
	_ =	sdelay $0x4  }
0x34: {  	v3 =	vshll.u32 v2, $0x3  }
0x35: {  	v2 =	vand.u32 $0x7, v2;
	v3 =	vand.u32 $0xFFFFFFC0, v3  }
0x36: {  	v2 =	vor.u32 v2, v3  }
0x37: {  	v2 =	vperm.xlane v2, v0;
	_ =	sdelay $0x1  }
0x38: {  	v2 =	vadd.s32 v1, v2;
	_ =	sdelay $0x3  }
0x39: {  	s7 =	simm.s32 $0x2400  }
0x3a: {  	[tilespmem:s7], [sflag:$0x2] =	stream.indirect_vreg.gather [hbm4b:s2+s3], $0x80, v2, vm0, $0xb8;
	[tilespmem:$0x10400] =	vst v63  }
0x3b: {  	_ = 	snop  }
0x3c: {  	[tilespmem:s1], [sflag:$0x2] =	stream.indirect_vreg.gather [hbm4b:s5+s3], $0x80, v2, vm0, $0xb8;
	[tilespmem:$0x10400] =	vst v63  }
0x3d: {  	_ = 	snop  }
0x3e: {  	[tilespmem:s21], [sflag:$0x2] =	stream.indirect_vreg.gather [hbm4b:s6+s3], $0x80, v2, vm0, $0xb8;
	[tilespmem:$0x10400] =	vst v63  }
0x3f: {  	_ = 	snop  }
0x40: {  	[tilespmem:s26], [sflag:$0x2] =	stream.indirect_vreg.gather [hbm4b:s8+s3], $0x80, v2, vm0, $0xb8;
	[tilespmem:$0x10400] =	vst v63  }
0x41: {  	v2 =	vld.msk [tilespmem:$0x10], $0xff;
	_ =	sdelay $0x4  }
0x42: {  	v3 =	vshll.u32 v2, $0x3  }
0x43: {  	v2 =	vand.u32 $0x7, v2;
	v3 =	vand.u32 $0xFFFFFFC0, v3  }
0x44: {  	v2 =	vor.u32 v2, v3  }
0x45: {  	v2 =	vperm.xlane v2, v0;
	_ =	sdelay $0x1  }
0x46: {  	v2 =	vadd.s32 v1, v2;
	_ =	sdelay $0x3  }
0x47: {  	s31 =	simm.s32 $0x4400  }
0x48: {  	[tilespmem:s31], [sflag:$0x3] =	stream.indirect_vreg.gather [hbm4b:s2+s3], $0x80, v2, vm0, $0xb8;
	[tilespmem:$0x10400] =	vst v63  }
0x49: {  	s16 =	simm.s32 $0x4C00  }
0x4a: {  	[tilespmem:s16], [sflag:$0x3] =	stream.indirect_vreg.gather [hbm4b:s5+s3], $0x80, v2, vm0, $0xb8;
	[tilespmem:$0x10400] =	vst v63  }
0x4b: {  	s18 =	simm.s32 $0x5400  }
0x4c: {  	[tilespmem:s18], [sflag:$0x3] =	stream.indirect_vreg.gather [hbm4b:s6+s3], $0x80, v2, vm0, $0xb8;
	[tilespmem:$0x10400] =	vst v63  }
0x4d: {  	s18 =	simm.s32 $0x5C00  }
0x4e: {  	[tilespmem:s18], [sflag:$0x3] =	stream.indirect_vreg.gather [hbm4b:s8+s3], $0x80, v2, vm0, $0xb8;
	[tilespmem:$0x10400] =	vst v63  }
0x4f: {  	v2 =	vld.msk [tilespmem:$0x18], $0xff;
	_ =	sdelay $0x4  }
0x50: {  	v3 =	vshll.u32 v2, $0x3  }
0x51: {  	v2 =	vand.u32 $0x7, v2;
	v3 =	vand.u32 $0xFFFFFFC0, v3  }
0x52: {  	v2 =	vor.u32 v2, v3  }
0x53: {  	v2 =	vperm.xlane v2, v0;
	_ =	sdelay $0x1  }
0x54: {  	v2 =	vadd.s32 v1, v2;
	_ =	sdelay $0x3  }
0x55: {  	s18 =	simm.s32 $0x6400  }
0x56: {  	[tilespmem:s18], [sflag:$0x4] =	stream.indirect_vreg.gather [hbm4b:s2+s3], $0x80, v2, vm0, $0xb8;
	[tilespmem:$0x10400] =	vst v63  }
0x57: {  	_ = 	snop  }
0x58: {  	[tilespmem:s30], [sflag:$0x4] =	stream.indirect_vreg.gather [hbm4b:s5+s3], $0x80, v2, vm0, $0xb8;
	[tilespmem:$0x10400] =	vst v63  }
0x59: {  	s4 =	simm.s32 $0x7400  }
0x5a: {  	[tilespmem:s4], [sflag:$0x4] =	stream.indirect_vreg.gather [hbm4b:s6+s3], $0x80, v2, vm0, $0xb8;
	[tilespmem:$0x10400] =	vst v63  }
0x5b: {  	s4 =	simm.s32 $0x7C00  }
0x5c: {  	[tilespmem:s4], [sflag:$0x4] =	stream.indirect_vreg.gather [hbm4b:s8+s3], $0x80, v2, vm0, $0xb8;
	[tilespmem:$0x10400] =	vst v63  }
0x5d: {  	v2 =	vld.msk [tilespmem:$0x20], $0xff;
	_ =	sdelay $0x4  }
0x5e: {  	v3 =	vshll.u32 v2, $0x3  }
0x5f: {  	v2 =	vand.u32 $0x7, v2;
	v3 =	vand.u32 $0xFFFFFFC0, v3  }
0x60: {  	v2 =	vor.u32 v2, v3  }
0x61: {  	v2 =	vperm.xlane v2, v0;
	_ =	sdelay $0x1  }
0x62: {  	v2 =	vadd.s32 v1, v2;
	_ =	sdelay $0x3  }
0x63: {  	s4 =	simm.s32 $0x8400  }
0x64: {  	[tilespmem:s4], [sflag:$0x5] =	stream.indirect_vreg.gather [hbm4b:s2+s3], $0x80, v2, vm0, $0xb8;
	[tilespmem:$0x10400] =	vst v63  }
0x65: {  	_ = 	snop  }
0x66: {  	[tilespmem:s12], [sflag:$0x5] =	stream.indirect_vreg.gather [hbm4b:s5+s3], $0x80, v2, vm0, $0xb8;
	[tilespmem:$0x10400] =	vst v63  }
0x67: {  	_ = 	snop  }
0x68: {  	[tilespmem:s11], [sflag:$0x5] =	stream.indirect_vreg.gather [hbm4b:s6+s3], $0x80, v2, vm0, $0xb8;
	[tilespmem:$0x10400] =	vst v63  }
0x69: {  	s4 =	simm.s32 $0x9C00  }
0x6a: {  	[tilespmem:s4], [sflag:$0x5] =	stream.indirect_vreg.gather [hbm4b:s8+s3], $0x80, v2, vm0, $0xb8;
	[tilespmem:$0x10400] =	vst v63  }
0x6b: {  	v2 =	vld.msk [tilespmem:$0x28], $0xff;
	_ =	sdelay $0x4  }
0x6c: {  	v3 =	vshll.u32 v2, $0x3  }
0x6d: {  	v2 =	vand.u32 $0x7, v2;
	v3 =	vand.u32 $0xFFFFFFC0, v3  }
0x6e: {  	v2 =	vor.u32 v2, v3  }
0x6f: {  	v2 =	vperm.xlane v2, v0;
	_ =	sdelay $0x1  }
0x70: {  	v2 =	vadd.s32 v1, v2;
	_ =	sdelay $0x3  }
0x71: {  	s4 =	simm.s32 $0xA400  }
0x72: {  	[tilespmem:s4], [sflag:$0x6] =	stream.indirect_vreg.gather [hbm4b:s2+s3], $0x80, v2, vm0, $0xb8;
	[tilespmem:$0x10400] =	vst v63  }
0x73: {  	_ = 	snop  }
0x74: {  	[tilespmem:s14], [sflag:$0x6] =	stream.indirect_vreg.gather [hbm4b:s5+s3], $0x80, v2, vm0, $0xb8;
	[tilespmem:$0x10400] =	vst v63  }
0x75: {  	s4 =	simm.s32 $0xB400  }
0x76: {  	[tilespmem:s4], [sflag:$0x6] =	stream.indirect_vreg.gather [hbm4b:s6+s3], $0x80, v2, vm0, $0xb8;
	[tilespmem:$0x10400] =	vst v63  }
0x77: {  	s4 =	simm.s32 $0xBC00  }
0x78: {  	[tilespmem:s4], [sflag:$0x6] =	stream.indirect_vreg.gather [hbm4b:s8+s3], $0x80, v2, vm0, $0xb8;
	[tilespmem:$0x10400] =	vst v63  }
0x79: {  	v2 =	vld.msk [tilespmem:$0x30], $0xff;
	_ =	sdelay $0x4  }
0x7a: {  	v3 =	vshll.u32 v2, $0x3  }
0x7b: {  	v2 =	vand.u32 $0x7, v2;
	v3 =	vand.u32 $0xFFFFFFC0, v3  }
0x7c: {  	v2 =	vor.u32 v2, v3  }
0x7d: {  	v2 =	vperm.xlane v2, v0;
	_ =	sdelay $0x1  }
0x7e: {  	v2 =	vadd.s32 v1, v2;
	_ =	sdelay $0x3  }
0x7f: {  	s4 =	simm.s32 $0xC400  }
0x80: {  	[tilespmem:s4], [sflag:$0x7] =	stream.indirect_vreg.gather [hbm4b:s2+s3], $0x80, v2, vm0, $0xb8;
	[tilespmem:$0x10400] =	vst v63  }
0x81: {  	_ = 	snop  }
0x82: {  	[tilespmem:s15], [sflag:$0x7] =	stream.indirect_vreg.gather [hbm4b:s5+s3], $0x80, v2, vm0, $0xb8;
	[tilespmem:$0x10400] =	vst v63  }
0x83: {  	s4 =	simm.s32 $0xD400  }
0x84: {  	[tilespmem:s4], [sflag:$0x7] =	stream.indirect_vreg.gather [hbm4b:s6+s3], $0x80, v2, vm0, $0xb8;
	[tilespmem:$0x10400] =	vst v63  }
0x85: {  	s4 =	simm.s32 $0xDC00  }
0x86: {  	[tilespmem:s4], [sflag:$0x7] =	stream.indirect_vreg.gather [hbm4b:s8+s3], $0x80, v2, vm0, $0xb8;
	[tilespmem:$0x10400] =	vst v63  }
0x87: {  	s4 =	simm.s32 $0x1  }
0x88: {  	_ =	swait.ge [sflag:s4], $0x2000  }
0x89: {  	[sflag:s4] =	ssyncset.done $0x0  }
0x8a: {  	[sflag:s4] =	ssyncadd.s32 $0xFFFFE000;
	s4 =	rddreg [dreg:$0x6]  }
0x8b: {  	[hbm4b:s4+s3] =	stream.linear.scatter [tilespmem:s9], [sflag:$0x9], $0x2000, $0x38;
	[tilespmem:$0x10400] =	vst v63  }
0x8c: {  	v2 =	vld.msk [tilespmem:$0x38], $0xff;
	_ =	sdelay $0x4  }
0x8d: {  	v3 =	vshll.u32 v2, $0x3  }
0x8e: {  	v2 =	vand.u32 $0x7, v2;
	v3 =	vand.u32 $0xFFFFFFC0, v3  }
0x8f: {  	v2 =	vor.u32 v2, v3  }
0x90: {  	v2 =	vperm.xlane v2, v0;
	_ =	sdelay $0x1  }
0x91: {  	v2 =	vadd.s32 v1, v2;
	_ =	sdelay $0x3  }
0x92: {  	s4 =	simm.s32 $0xE400  }
0x93: {  	[tilespmem:s4], [sflag:$0x8] =	stream.indirect_vreg.gather [hbm4b:s2+s3], $0x80, v2, vm0, $0xb8;
	[tilespmem:$0x10400] =	vst v63  }
0x94: {  	s4 =	simm.s32 $0xEC00  }
0x95: {  	[tilespmem:s4], [sflag:$0x8] =	stream.indirect_vreg.gather [hbm4b:s5+s3], $0x80, v2, vm0, $0xb8;
	[tilespmem:$0x10400] =	vst v63  }
0x96: {  	s4 =	simm.s32 $0xF400  }
0x97: {  	[tilespmem:s4], [sflag:$0x8] =	stream.indirect_vreg.gather [hbm4b:s6+s3], $0x80, v2, vm0, $0xb8;
	[tilespmem:$0x10400] =	vst v63  }
0x98: {  	s4 =	simm.s32 $0xFC00  }
0x99: {  	[tilespmem:s4], [sflag:$0x8] =	stream.indirect_vreg.gather [hbm4b:s8+s3], $0x80, v2, vm0, $0xb8;
	[tilespmem:$0x10400] =	vst v63  }
0x9a: {  	s4 =	simm.s32 $0x2  }
0x9b: {  	_ =	swait.ge [sflag:s4], $0x2000  }
0x9c: {  	[sflag:s4] =	ssyncset.done $0x0  }
0x9d: {  	[sflag:s4] =	ssyncadd.s32 $0xFFFFE000;
	s4 =	rddreg [dreg:$0x7]  }
0x9e: {  	[hbm4b:s4+s3] =	stream.linear.scatter [tilespmem:s7], [sflag:$0xA], $0x2000, $0x38;
	[tilespmem:$0x10400] =	vst v63  }
0x9f: {  	s4 =	simm.s32 $0x9  }
0xa0: {  	_ =	swait.ge [sflag:s4], $0x2000  }
0xa1: {  	[sflag:s4] =	ssyncset.done $0x0  }
0xa2: {  	[sflag:s4] =	ssyncadd.s32 $0xFFFFE000  }
0xa3: {  	v2 =	vld.msk [tilespmem:$0x40], $0xff;
	_ =	sdelay $0x4  }
0xa4: {  	v3 =	vshll.u32 v2, $0x3  }
0xa5: {  	v2 =	vand.u32 $0x7, v2;
	v3 =	vand.u32 $0xFFFFFFC0, v3  }
0xa6: {  	v2 =	vor.u32 v2, v3  }
0xa7: {  	v2 =	vperm.xlane v2, v0;
	_ =	sdelay $0x1  }
0xa8: {  	v2 =	vadd.s32 v1, v2;
	_ =	sdelay $0x4  }
0xa9: {  	[tilespmem:s9], [sflag:$0x1] =	stream.indirect_vreg.gather [hbm4b:s2+s3], $0x80, v2, vm0, $0xb8;
	[tilespmem:$0x10400] =	vst v63  }
0xaa: {  	_ = 	snop  }
0xab: {  	[tilespmem:s13], [sflag:$0x1] =	stream.indirect_vreg.gather [hbm4b:s5+s3], $0x80, v2, vm0, $0xb8;
	[tilespmem:$0x10400] =	vst v63  }
0xac: {  	_ = 	snop  }
0xad: {  	[tilespmem:s10], [sflag:$0x1] =	stream.indirect_vreg.gather [hbm4b:s6+s3], $0x80, v2, vm0, $0xb8;
	[tilespmem:$0x10400] =	vst v63  }
0xae: {  	s10 =	simm.s32 $0x3  }
0xaf: {  	[tilespmem:s17], [sflag:$0x1] =	stream.indirect_vreg.gather [hbm4b:s8+s3], $0x80, v2, vm0, $0xb8;
	[tilespmem:$0x10400] =	vst v63  }
0xb0: {  	_ =	swait.ge [sflag:s10], $0x2000  }
0xb1: {  	[sflag:s10] =	ssyncset.done $0x0  }
0xb2: {  	s17 =	simm.s32 $0xA;
	s13 =	rddreg [dreg:$0x8];
	[sflag:s10] =	ssyncadd.s32 $0xFFFFE000  }
0xb3: {  	[hbm4b:s13+s3] =	stream.linear.scatter [tilespmem:s31], [sflag:$0xB], $0x2000, $0x38;
	[tilespmem:$0x10400] =	vst v63  }
0xb4: {  	_ =	swait.ge [sflag:s17], $0x2000  }
0xb5: {  	[sflag:s17] =	ssyncset.done $0x0  }
0xb6: {  	[sflag:s17] =	ssyncadd.s32 $0xFFFFE000  }
0xb7: {  	v2 =	vld.msk [tilespmem:$0x48], $0xff;
	_ =	sdelay $0x4  }
0xb8: {  	v3 =	vshll.u32 v2, $0x3  }
0xb9: {  	v2 =	vand.u32 $0x7, v2;
	v3 =	vand.u32 $0xFFFFFFC0, v3  }
0xba: {  	v2 =	vor.u32 v2, v3  }
0xbb: {  	v2 =	vperm.xlane v2, v0;
	_ =	sdelay $0x1  }
0xbc: {  	v2 =	vadd.s32 v1, v2;
	_ =	sdelay $0x4  }
0xbd: {  	[tilespmem:s7], [sflag:$0x2] =	stream.indirect_vreg.gather [hbm4b:s2+s3], $0x80, v2, vm0, $0xb8;
	[tilespmem:$0x10400] =	vst v63  }
0xbe: {  	_ = 	snop  }
0xbf: {  	[tilespmem:s1], [sflag:$0x2] =	stream.indirect_vreg.gather [hbm4b:s5+s3], $0x80, v2, vm0, $0xb8;
	[tilespmem:$0x10400] =	vst v63  }
0xc0: {  	_ = 	snop  }
0xc1: {  	[tilespmem:s21], [sflag:$0x2] =	stream.indirect_vreg.gather [hbm4b:s6+s3], $0x80, v2, vm0, $0xb8;
	[tilespmem:$0x10400] =	vst v63  }
0xc2: {  	s9 =	simm.s32 $0x4  }
0xc3: {  	[tilespmem:s26], [sflag:$0x2] =	stream.indirect_vreg.gather [hbm4b:s8+s3], $0x80, v2, vm0, $0xb8;
	[tilespmem:$0x10400] =	vst v63  }
0xc4: {  	_ =	swait.ge [sflag:s9], $0x2000  }
0xc5: {  	s18 =	simm.s32 $0x6400;
	[sflag:s9] =	ssyncset.done $0x0  }
0xc6: {  	s13 =	simm.s32 $0xB;
	s10 =	rddreg [dreg:$0x9];
	[sflag:s9] =	ssyncadd.s32 $0xFFFFE000  }
0xc7: {  	[hbm4b:s10+s3] =	stream.linear.scatter [tilespmem:s18], [sflag:$0xC], $0x2000, $0x38;
	[tilespmem:$0x10400] =	vst v63  }
0xc8: {  	_ =	swait.ge [sflag:s13], $0x2000  }
0xc9: {  	[sflag:s13] =	ssyncset.done $0x0  }
0xca: {  	[sflag:s13] =	ssyncadd.s32 $0xFFFFE000  }
0xcb: {  	v2 =	vld.msk [tilespmem:$0x50], $0xff;
	_ =	sdelay $0x4  }
0xcc: {  	v3 =	vshll.u32 v2, $0x3  }
0xcd: {  	v2 =	vand.u32 $0x7, v2;
	v3 =	vand.u32 $0xFFFFFFC0, v3  }
0xce: {  	v2 =	vor.u32 v2, v3  }
0xcf: {  	v2 =	vperm.xlane v2, v0;
	_ =	sdelay $0x1  }
0xd0: {  	v2 =	vadd.s32 v1, v2;
	_ =	sdelay $0x4  }
0xd1: {  	[tilespmem:s31], [sflag:$0x3] =	stream.indirect_vreg.gather [hbm4b:s2+s3], $0x80, v2, vm0, $0xb8;
	[tilespmem:$0x10400] =	vst v63  }
0xd2: {  	_ = 	snop  }
0xd3: {  	[tilespmem:s16], [sflag:$0x3] =	stream.indirect_vreg.gather [hbm4b:s5+s3], $0x80, v2, vm0, $0xb8;
	[tilespmem:$0x10400] =	vst v63  }
0xd4: {  	s16 =	simm.s32 $0x5400  }
0xd5: {  	[tilespmem:s16], [sflag:$0x3] =	stream.indirect_vreg.gather [hbm4b:s6+s3], $0x80, v2, vm0, $0xb8;
	[tilespmem:$0x10400] =	vst v63  }
0xd6: {  	s17 =	simm.s32 $0x5C00  }
0xd7: {  	[tilespmem:s17], [sflag:$0x3] =	stream.indirect_vreg.gather [hbm4b:s8+s3], $0x80, v2, vm0, $0xb8;
	[tilespmem:$0x10400] =	vst v63  }
0xd8: {  	_ =	swait.ge [sflag:s19], $0x2000  }
0xd9: {  	[sflag:s19] =	ssyncset.done $0x0  }
0xda: {  	s26 =	simm.s32 $0x8400;
	s21 =	rddreg [dreg:$0xa];
	[sflag:s19] =	ssyncadd.s32 $0xFFFFE000  }
0xdb: {  	[hbm4b:s21+s3] =	stream.linear.scatter [tilespmem:s26], [sflag:$0xD], $0x2000, $0x38;
	[tilespmem:$0x10400] =	vst v63  }
0xdc: {  	_ =	swait.ge [sflag:s20], $0x2000  }
0xdd: {  	[sflag:s20] =	ssyncset.done $0x0  }
0xde: {  	[sflag:s20] =	ssyncadd.s32 $0xFFFFE000  }
0xdf: {  	v2 =	vld.msk [tilespmem:$0x58], $0xff;
	_ =	sdelay $0x4  }
0xe0: {  	v3 =	vshll.u32 v2, $0x3  }
0xe1: {  	v2 =	vand.u32 $0x7, v2;
	v3 =	vand.u32 $0xFFFFFFC0, v3  }
0xe2: {  	v2 =	vor.u32 v2, v3  }
0xe3: {  	v2 =	vperm.xlane v2, v0;
	_ =	sdelay $0x1  }
0xe4: {  	v2 =	vadd.s32 v1, v2;
	_ =	sdelay $0x4  }
0xe5: {  	[tilespmem:s18], [sflag:$0x4] =	stream.indirect_vreg.gather [hbm4b:s2+s3], $0x80, v2, vm0, $0xb8;
	[tilespmem:$0x10400] =	vst v63  }
0xe6: {  	_ = 	snop  }
0xe7: {  	[tilespmem:s30], [sflag:$0x4] =	stream.indirect_vreg.gather [hbm4b:s5+s3], $0x80, v2, vm0, $0xb8;
	[tilespmem:$0x10400] =	vst v63  }
0xe8: {  	s31 =	simm.s32 $0x7400  }
0xe9: {  	[tilespmem:s31], [sflag:$0x4] =	stream.indirect_vreg.gather [hbm4b:s6+s3], $0x80, v2, vm0, $0xb8;
	[tilespmem:$0x10400] =	vst v63  }
0xea: {  	s7 =	simm.s32 $0x7C00  }
0xeb: {  	[tilespmem:s7], [sflag:$0x4] =	stream.indirect_vreg.gather [hbm4b:s8+s3], $0x80, v2, vm0, $0xb8;
	[tilespmem:$0x10400] =	vst v63  }
0xec: {  	_ =	swait.ge [sflag:s22], $0x2000  }
0xed: {  	[sflag:s22] =	ssyncset.done $0x0  }
0xee: {  	s10 =	simm.s32 $0xA400;
	s9 =	rddreg [dreg:$0xb];
	[sflag:s22] =	ssyncadd.s32 $0xFFFFE000  }
0xef: {  	[hbm4b:s9+s3] =	stream.linear.scatter [tilespmem:s10], [sflag:$0xE], $0x2000, $0x38;
	[tilespmem:$0x10400] =	vst v63  }
0xf0: {  	_ =	swait.ge [sflag:s23], $0x2000  }
0xf1: {  	[sflag:s23] =	ssyncset.done $0x0  }
0xf2: {  	[sflag:s23] =	ssyncadd.s32 $0xFFFFE000  }
0xf3: {  	v2 =	vld.msk [tilespmem:$0x60], $0xff;
	_ =	sdelay $0x4  }
0xf4: {  	v3 =	vshll.u32 v2, $0x3  }
0xf5: {  	v2 =	vand.u32 $0x7, v2;
	v3 =	vand.u32 $0xFFFFFFC0, v3  }
0xf6: {  	v2 =	vor.u32 v2, v3  }
0xf7: {  	v2 =	vperm.xlane v2, v0;
	_ =	sdelay $0x1  }
0xf8: {  	v2 =	vadd.s32 v1, v2;
	_ =	sdelay $0x4  }
0xf9: {  	[tilespmem:s26], [sflag:$0x5] =	stream.indirect_vreg.gather [hbm4b:s2+s3], $0x80, v2, vm0, $0xb8;
	[tilespmem:$0x10400] =	vst v63  }
0xfa: {  	_ = 	snop  }
0xfb: {  	[tilespmem:s12], [sflag:$0x5] =	stream.indirect_vreg.gather [hbm4b:s5+s3], $0x80, v2, vm0, $0xb8;
	[tilespmem:$0x10400] =	vst v63  }
0xfc: {  	_ = 	snop  }
0xfd: {  	[tilespmem:s11], [sflag:$0x5] =	stream.indirect_vreg.gather [hbm4b:s6+s3], $0x80, v2, vm0, $0xb8;
	[tilespmem:$0x10400] =	vst v63  }
0xfe: {  	s12 =	simm.s32 $0x9C00  }
0xff: {  	[tilespmem:s12], [sflag:$0x5] =	stream.indirect_vreg.gather [hbm4b:s8+s3], $0x80, v2, vm0, $0xb8;
	[tilespmem:$0x10400] =	vst v63  }
0x100: {  	_ =	swait.ge [sflag:s24], $0x2000  }
0x101: {  	[sflag:s24] =	ssyncset.done $0x0  }
0x102: {  	s16 =	simm.s32 $0xC400;
	s13 =	rddreg [dreg:$0xc];
	[sflag:s24] =	ssyncadd.s32 $0xFFFFE000  }
0x103: {  	[hbm4b:s13+s3] =	stream.linear.scatter [tilespmem:s16], [sflag:$0xF], $0x2000, $0x38;
	[tilespmem:$0x10400] =	vst v63  }
0x104: {  	_ =	swait.ge [sflag:s25], $0x2000  }
0x105: {  	[sflag:s25] =	ssyncset.done $0x0  }
0x106: {  	[sflag:s25] =	ssyncadd.s32 $0xFFFFE000  }
0x107: {  	v2 =	vld.msk [tilespmem:$0x68], $0xff;
	_ =	sdelay $0x4  }
0x108: {  	v3 =	vshll.u32 v2, $0x3  }
0x109: {  	v2 =	vand.u32 $0x7, v2;
	v3 =	vand.u32 $0xFFFFFFC0, v3  }
0x10a: {  	v2 =	vor.u32 v2, v3  }
0x10b: {  	v2 =	vperm.xlane v2, v0;
	_ =	sdelay $0x1  }
0x10c: {  	v2 =	vadd.s32 v1, v2;
	_ =	sdelay $0x4  }
0x10d: {  	[tilespmem:s10], [sflag:$0x6] =	stream.indirect_vreg.gather [hbm4b:s2+s3], $0x80, v2, vm0, $0xb8;
	[tilespmem:$0x10400] =	vst v63  }
0x10e: {  	_ = 	snop  }
0x10f: {  	[tilespmem:s14], [sflag:$0x6] =	stream.indirect_vreg.gather [hbm4b:s5+s3], $0x80, v2, vm0, $0xb8;
	[tilespmem:$0x10400] =	vst v63  }
0x110: {  	s17 =	simm.s32 $0xB400  }
0x111: {  	[tilespmem:s17], [sflag:$0x6] =	stream.indirect_vreg.gather [hbm4b:s6+s3], $0x80, v2, vm0, $0xb8;
	[tilespmem:$0x10400] =	vst v63  }
0x112: {  	s18 =	simm.s32 $0xBC00  }
0x113: {  	[tilespmem:s18], [sflag:$0x6] =	stream.indirect_vreg.gather [hbm4b:s8+s3], $0x80, v2, vm0, $0xb8;
	[tilespmem:$0x10400] =	vst v63  }
0x114: {  	_ =	swait.ge [sflag:s28], $0x2000  }
0x115: {  	[sflag:s28] =	ssyncset.done $0x0  }
0x116: {  	s26 =	simm.s32 $0xE400;
	s21 =	rddreg [dreg:$0xd];
	[sflag:s28] =	ssyncadd.s32 $0xFFFFE000  }
0x117: {  	[hbm4b:s21+s3] =	stream.linear.scatter [tilespmem:s26], [sflag:$0x10], $0x2000, $0x38;
	[tilespmem:$0x10400] =	vst v63  }
0x118: {  	_ =	swait.ge [sflag:s29], $0x2000  }
0x119: {  	[sflag:s29] =	ssyncset.done $0x0  }
0x11a: {  	[sflag:s29] =	ssyncadd.s32 $0xFFFFE000  }
0x11b: {  	v2 =	vld.msk [tilespmem:$0x70], $0xff;
	_ =	sdelay $0x4  }
0x11c: {  	v3 =	vshll.u32 v2, $0x3  }
0x11d: {  	v2 =	vand.u32 $0x7, v2;
	v3 =	vand.u32 $0xFFFFFFC0, v3  }
0x11e: {  	v2 =	vor.u32 v2, v3  }
0x11f: {  	v2 =	vperm.xlane v2, v0;
	_ =	sdelay $0x1  }
0x120: {  	v2 =	vadd.s32 v1, v2;
	_ =	sdelay $0x4  }
0x121: {  	[tilespmem:s16], [sflag:$0x7] =	stream.indirect_vreg.gather [hbm4b:s2+s3], $0x80, v2, vm0, $0xb8;
	[tilespmem:$0x10400] =	vst v63  }
0x122: {  	_ = 	snop  }
0x123: {  	[tilespmem:s15], [sflag:$0x7] =	stream.indirect_vreg.gather [hbm4b:s5+s3], $0x80, v2, vm0, $0xb8;
	[tilespmem:$0x10400] =	vst v63  }
0x124: {  	s30 =	simm.s32 $0xD400  }
0x125: {  	[tilespmem:s30], [sflag:$0x7] =	stream.indirect_vreg.gather [hbm4b:s6+s3], $0x80, v2, vm0, $0xb8;
	[tilespmem:$0x10400] =	vst v63  }
0x126: {  	s4 =	simm.s32 $0xB0;
	s31 =	simm.s32 $0xDC00;
	s10 =	simm.s32 $0x0  }
0x127: {  	[tilespmem:s31], [sflag:$0x7] =	stream.indirect_vreg.gather [hbm4b:s8+s3], $0x80, v2, vm0, $0xb8;
	[tilespmem:$0x10400] =	vst v63  }
.LBB2_2:
0x128: {  	s1 =	simm.s32 $0x1  }
0x129: {  	_ =	swait.ge [sflag:s1], $0x2000  }
0x12a: {  	s26 =	rddreg [dreg:$0x4]  }
0x12b: {  	[sflag:s1] =	ssyncset.done $0x0;
	s26 =	sadd.s32 s10, s26  }
0x12c: {  	s13 =	simm.s32 $0x400;
	[sflag:s1] =	ssyncadd.s32 $0xFFFFE000;
	s31 =	sadd.s32 $0x2000, s26  }
0x12d: {  	[hbm4b:s31+s3] =	stream.linear.scatter [tilespmem:s13], [sflag:$0x9], $0x2000, $0x38;
	[tilespmem:$0x10400] =	vst v63  }
0x12e: {  	_ =	swait.ge [sflag:s0], $0x2000  }
0x12f: {  	[sflag:s0] =	ssyncset.done $0x0  }
0x130: {  	[sflag:s0] =	ssyncadd.s32 $0xFFFFE000  }
0x131: {  	v2 =	vld.msk [tilespmem:s4+$0xFFFFFFC8], $0xff;
	_ =	sdelay $0x4  }
0x132: {  	v3 =	vshll.u32 v2, $0x3  }
0x133: {  	v2 =	vand.u32 $0x7, v2;
	v3 =	vand.u32 $0xFFFFFFC0, v3  }
0x134: {  	v2 =	vor.u32 v2, v3  }
0x135: {  	v2 =	vperm.xlane v2, v0;
	_ =	sdelay $0x1  }
0x136: {  	v2 =	vadd.s32 v1, v2;
	_ =	sdelay $0x3  }
0x137: {  	s16 =	simm.s32 $0xE400  }
0x138: {  	[tilespmem:s16], [sflag:$0x8] =	stream.indirect_vreg.gather [hbm4b:s2+s3], $0x80, v2, vm0, $0xb8;
	[tilespmem:$0x10400] =	vst v63  }
0x139: {  	s9 =	simm.s32 $0xEC00  }
0x13a: {  	[tilespmem:s9], [sflag:$0x8] =	stream.indirect_vreg.gather [hbm4b:s5+s3], $0x80, v2, vm0, $0xb8;
	[tilespmem:$0x10400] =	vst v63  }
0x13b: {  	s11 =	simm.s32 $0xF400  }
0x13c: {  	[tilespmem:s11], [sflag:$0x8] =	stream.indirect_vreg.gather [hbm4b:s6+s3], $0x80, v2, vm0, $0xb8;
	[tilespmem:$0x10400] =	vst v63  }
0x13d: {  	s12 =	simm.s32 $0xFC00;
	s14 =	simm.s32 $0x2  }
0x13e: {  	[tilespmem:s12], [sflag:$0x8] =	stream.indirect_vreg.gather [hbm4b:s8+s3], $0x80, v2, vm0, $0xb8;
	[tilespmem:$0x10400] =	vst v63  }
0x13f: {  	_ =	swait.ge [sflag:s14], $0x2000  }
0x140: {  	s15 =	simm.s32 $0x2400;
	[sflag:s14] =	ssyncset.done $0x0  }
0x141: {  	s7 =	simm.s32 $0x9;
	s31 =	sadd.s32 $0x2400, s26;
	[sflag:s14] =	ssyncadd.s32 $0xFFFFE000  }
0x142: {  	[hbm4b:s31+s3] =	stream.linear.scatter [tilespmem:s15], [sflag:$0xA], $0x2000, $0x38;
	[tilespmem:$0x10400] =	vst v63  }
0x143: {  	_ =	swait.ge [sflag:s7], $0x2000  }
0x144: {  	[sflag:s7] =	ssyncset.done $0x0  }
0x145: {  	[sflag:s7] =	ssyncadd.s32 $0xFFFFE000  }
0x146: {  	v2 =	vld.msk [tilespmem:s4+$0xFFFFFFD0], $0xff;
	_ =	sdelay $0x4  }
0x147: {  	v3 =	vshll.u32 v2, $0x3  }
0x148: {  	v2 =	vand.u32 $0x7, v2;
	v3 =	vand.u32 $0xFFFFFFC0, v3  }
0x149: {  	v2 =	vor.u32 v2, v3  }
0x14a: {  	v2 =	vperm.xlane v2, v0;
	_ =	sdelay $0x1  }
0x14b: {  	v2 =	vadd.s32 v1, v2;
	_ =	sdelay $0x4  }
0x14c: {  	[tilespmem:s13], [sflag:$0x1] =	stream.indirect_vreg.gather [hbm4b:s2+s3], $0x80, v2, vm0, $0xb8;
	[tilespmem:$0x10400] =	vst v63  }
0x14d: {  	s13 =	simm.s32 $0xC00  }
0x14e: {  	[tilespmem:s13], [sflag:$0x1] =	stream.indirect_vreg.gather [hbm4b:s5+s3], $0x80, v2, vm0, $0xb8;
	[tilespmem:$0x10400] =	vst v63  }
0x14f: {  	s17 =	simm.s32 $0x1400  }
0x150: {  	[tilespmem:s17], [sflag:$0x1] =	stream.indirect_vreg.gather [hbm4b:s6+s3], $0x80, v2, vm0, $0xb8;
	[tilespmem:$0x10400] =	vst v63  }
0x151: {  	s18 =	simm.s32 $0x1C00;
	s21 =	simm.s32 $0x3  }
0x152: {  	[tilespmem:s18], [sflag:$0x1] =	stream.indirect_vreg.gather [hbm4b:s8+s3], $0x80, v2, vm0, $0xb8;
	[tilespmem:$0x10400] =	vst v63  }
0x153: {  	_ =	swait.ge [sflag:s21], $0x2000  }
0x154: {  	s11 =	simm.s32 $0xA;
	[sflag:s21] =	ssyncset.done $0x0  }
0x155: {  	s31 =	sadd.s32 $0x2800, s26;
	s17 =	simm.s32 $0x4400;
	[sflag:s21] =	ssyncadd.s32 $0xFFFFE000  }
0x156: {  	[hbm4b:s31+s3] =	stream.linear.scatter [tilespmem:s17], [sflag:$0xB], $0x2000, $0x38;
	[tilespmem:$0x10400] =	vst v63  }
0x157: {  	_ =	swait.ge [sflag:s11], $0x2000  }
0x158: {  	[sflag:s11] =	ssyncset.done $0x0  }
0x159: {  	[sflag:s11] =	ssyncadd.s32 $0xFFFFE000  }
0x15a: {  	v2 =	vld.msk [tilespmem:s4+$0xFFFFFFD8], $0xff;
	_ =	sdelay $0x4  }
0x15b: {  	v3 =	vshll.u32 v2, $0x3  }
0x15c: {  	v2 =	vand.u32 $0x7, v2;
	v3 =	vand.u32 $0xFFFFFFC0, v3  }
0x15d: {  	v2 =	vor.u32 v2, v3  }
0x15e: {  	v2 =	vperm.xlane v2, v0;
	_ =	sdelay $0x1  }
0x15f: {  	v2 =	vadd.s32 v1, v2;
	_ =	sdelay $0x4  }
0x160: {  	[tilespmem:s15], [sflag:$0x2] =	stream.indirect_vreg.gather [hbm4b:s2+s3], $0x80, v2, vm0, $0xb8;
	[tilespmem:$0x10400] =	vst v63  }
0x161: {  	s1 =	simm.s32 $0x2C00  }
0x162: {  	[tilespmem:s1], [sflag:$0x2] =	stream.indirect_vreg.gather [hbm4b:s5+s3], $0x80, v2, vm0, $0xb8;
	[tilespmem:$0x10400] =	vst v63  }
0x163: {  	s11 =	simm.s32 $0x3400  }
0x164: {  	[tilespmem:s11], [sflag:$0x2] =	stream.indirect_vreg.gather [hbm4b:s6+s3], $0x80, v2, vm0, $0xb8;
	[tilespmem:$0x10400] =	vst v63  }
0x165: {  	s12 =	simm.s32 $0x3C00;
	s14 =	simm.s32 $0x4  }
0x166: {  	[tilespmem:s12], [sflag:$0x2] =	stream.indirect_vreg.gather [hbm4b:s8+s3], $0x80, v2, vm0, $0xb8;
	[tilespmem:$0x10400] =	vst v63  }
0x167: {  	_ =	swait.ge [sflag:s14], $0x2000  }
0x168: {  	s30 =	simm.s32 $0x6400;
	[sflag:s14] =	ssyncset.done $0x0  }
0x169: {  	s31 =	sadd.s32 $0x2C00, s26;
	s15 =	simm.s32 $0xB;
	[sflag:s14] =	ssyncadd.s32 $0xFFFFE000  }
0x16a: {  	[hbm4b:s31+s3] =	stream.linear.scatter [tilespmem:s30], [sflag:$0xC], $0x2000, $0x38;
	[tilespmem:$0x10400] =	vst v63  }
0x16b: {  	_ =	swait.ge [sflag:s15], $0x2000  }
0x16c: {  	[sflag:s15] =	ssyncset.done $0x0  }
0x16d: {  	[sflag:s15] =	ssyncadd.s32 $0xFFFFE000  }
0x16e: {  	v2 =	vld.msk [tilespmem:s4+$0xFFFFFFE0], $0xff;
	_ =	sdelay $0x4  }
0x16f: {  	v3 =	vshll.u32 v2, $0x3  }
0x170: {  	v2 =	vand.u32 $0x7, v2;
	v3 =	vand.u32 $0xFFFFFFC0, v3  }
0x171: {  	v2 =	vor.u32 v2, v3  }
0x172: {  	v2 =	vperm.xlane v2, v0;
	_ =	sdelay $0x1  }
0x173: {  	v2 =	vadd.s32 v1, v2;
	_ =	sdelay $0x4  }
0x174: {  	[tilespmem:s17], [sflag:$0x3] =	stream.indirect_vreg.gather [hbm4b:s2+s3], $0x80, v2, vm0, $0xb8;
	[tilespmem:$0x10400] =	vst v63  }
0x175: {  	s17 =	simm.s32 $0x4C00  }
0x176: {  	[tilespmem:s17], [sflag:$0x3] =	stream.indirect_vreg.gather [hbm4b:s5+s3], $0x80, v2, vm0, $0xb8;
	[tilespmem:$0x10400] =	vst v63  }
0x177: {  	s18 =	simm.s32 $0x5400  }
0x178: {  	[tilespmem:s18], [sflag:$0x3] =	stream.indirect_vreg.gather [hbm4b:s6+s3], $0x80, v2, vm0, $0xb8;
	[tilespmem:$0x10400] =	vst v63  }
0x179: {  	s12 =	simm.s32 $0x5C00  }
0x17a: {  	[tilespmem:s12], [sflag:$0x3] =	stream.indirect_vreg.gather [hbm4b:s8+s3], $0x80, v2, vm0, $0xb8;
	[tilespmem:$0x10400] =	vst v63  }
0x17b: {  	_ =	swait.ge [sflag:s19], $0x2000  }
0x17c: {  	[sflag:s19] =	ssyncset.done $0x0  }
0x17d: {  	s31 =	sadd.s32 $0x3000, s26;
	s12 =	simm.s32 $0x8400;
	[sflag:s19] =	ssyncadd.s32 $0xFFFFE000  }
0x17e: {  	[hbm4b:s31+s3] =	stream.linear.scatter [tilespmem:s12], [sflag:$0xD], $0x2000, $0x38;
	[tilespmem:$0x10400] =	vst v63  }
0x17f: {  	_ =	swait.ge [sflag:s20], $0x2000  }
0x180: {  	[sflag:s20] =	ssyncset.done $0x0  }
0x181: {  	[sflag:s20] =	ssyncadd.s32 $0xFFFFE000  }
0x182: {  	v2 =	vld.msk [tilespmem:s4+$0xFFFFFFE8], $0xff;
	_ =	sdelay $0x4  }
0x183: {  	v3 =	vshll.u32 v2, $0x3  }
0x184: {  	v2 =	vand.u32 $0x7, v2;
	v3 =	vand.u32 $0xFFFFFFC0, v3  }
0x185: {  	v2 =	vor.u32 v2, v3  }
0x186: {  	v2 =	vperm.xlane v2, v0;
	_ =	sdelay $0x1  }
0x187: {  	v2 =	vadd.s32 v1, v2;
	_ =	sdelay $0x4  }
0x188: {  	[tilespmem:s30], [sflag:$0x4] =	stream.indirect_vreg.gather [hbm4b:s2+s3], $0x80, v2, vm0, $0xb8;
	[tilespmem:$0x10400] =	vst v63  }
0x189: {  	s30 =	simm.s32 $0x6C00  }
0x18a: {  	[tilespmem:s30], [sflag:$0x4] =	stream.indirect_vreg.gather [hbm4b:s5+s3], $0x80, v2, vm0, $0xb8;
	[tilespmem:$0x10400] =	vst v63  }
0x18b: {  	s14 =	simm.s32 $0x7400  }
0x18c: {  	[tilespmem:s14], [sflag:$0x4] =	stream.indirect_vreg.gather [hbm4b:s6+s3], $0x80, v2, vm0, $0xb8;
	[tilespmem:$0x10400] =	vst v63  }
0x18d: {  	s15 =	simm.s32 $0x7C00  }
0x18e: {  	[tilespmem:s15], [sflag:$0x4] =	stream.indirect_vreg.gather [hbm4b:s8+s3], $0x80, v2, vm0, $0xb8;
	[tilespmem:$0x10400] =	vst v63  }
0x18f: {  	_ =	swait.ge [sflag:s22], $0x2000  }
0x190: {  	[sflag:s22] =	ssyncset.done $0x0  }
0x191: {  	s31 =	sadd.s32 $0x3400, s26;
	s14 =	simm.s32 $0xA400;
	[sflag:s22] =	ssyncadd.s32 $0xFFFFE000  }
0x192: {  	[hbm4b:s31+s3] =	stream.linear.scatter [tilespmem:s14], [sflag:$0xE], $0x2000, $0x38;
	[tilespmem:$0x10400] =	vst v63  }
0x193: {  	_ =	swait.ge [sflag:s23], $0x2000  }
0x194: {  	[sflag:s23] =	ssyncset.done $0x0  }
0x195: {  	[sflag:s23] =	ssyncadd.s32 $0xFFFFE000  }
0x196: {  	v2 =	vld.msk [tilespmem:s4+$0xFFFFFFF0], $0xff;
	_ =	sdelay $0x4  }
0x197: {  	v3 =	vshll.u32 v2, $0x3  }
0x198: {  	v2 =	vand.u32 $0x7, v2;
	v3 =	vand.u32 $0xFFFFFFC0, v3  }
0x199: {  	v2 =	vor.u32 v2, v3  }
0x19a: {  	v2 =	vperm.xlane v2, v0;
	_ =	sdelay $0x1  }
0x19b: {  	v2 =	vadd.s32 v1, v2;
	_ =	sdelay $0x4  }
0x19c: {  	[tilespmem:s12], [sflag:$0x5] =	stream.indirect_vreg.gather [hbm4b:s2+s3], $0x80, v2, vm0, $0xb8;
	[tilespmem:$0x10400] =	vst v63  }
0x19d: {  	s12 =	simm.s32 $0x8C00  }
0x19e: {  	[tilespmem:s12], [sflag:$0x5] =	stream.indirect_vreg.gather [hbm4b:s5+s3], $0x80, v2, vm0, $0xb8;
	[tilespmem:$0x10400] =	vst v63  }
0x19f: {  	s15 =	simm.s32 $0x9400  }
0x1a0: {  	[tilespmem:s15], [sflag:$0x5] =	stream.indirect_vreg.gather [hbm4b:s6+s3], $0x80, v2, vm0, $0xb8;
	[tilespmem:$0x10400] =	vst v63  }
0x1a1: {  	s18 =	simm.s32 $0x9C00  }
0x1a2: {  	[tilespmem:s18], [sflag:$0x5] =	stream.indirect_vreg.gather [hbm4b:s8+s3], $0x80, v2, vm0, $0xb8;
	[tilespmem:$0x10400] =	vst v63  }
0x1a3: {  	_ =	swait.ge [sflag:s24], $0x2000  }
0x1a4: {  	[sflag:s24] =	ssyncset.done $0x0  }
0x1a5: {  	s31 =	sadd.s32 $0x3800, s26;
	s15 =	simm.s32 $0xC400;
	[sflag:s24] =	ssyncadd.s32 $0xFFFFE000  }
0x1a6: {  	[hbm4b:s31+s3] =	stream.linear.scatter [tilespmem:s15], [sflag:$0xF], $0x2000, $0x38;
	[tilespmem:$0x10400] =	vst v63  }
0x1a7: {  	_ =	swait.ge [sflag:s25], $0x2000  }
0x1a8: {  	[sflag:s25] =	ssyncset.done $0x0  }
0x1a9: {  	[sflag:s25] =	ssyncadd.s32 $0xFFFFE000  }
0x1aa: {  	v2 =	vld.msk [tilespmem:s4+$0xFFFFFFF8], $0xff;
	_ =	sdelay $0x4  }
0x1ab: {  	v3 =	vshll.u32 v2, $0x3  }
0x1ac: {  	v2 =	vand.u32 $0x7, v2;
	v3 =	vand.u32 $0xFFFFFFC0, v3  }
0x1ad: {  	v2 =	vor.u32 v2, v3  }
0x1ae: {  	v2 =	vperm.xlane v2, v0;
	_ =	sdelay $0x1  }
0x1af: {  	v2 =	vadd.s32 v1, v2;
	_ =	sdelay $0x4  }
0x1b0: {  	[tilespmem:s14], [sflag:$0x6] =	stream.indirect_vreg.gather [hbm4b:s2+s3], $0x80, v2, vm0, $0xb8;
	[tilespmem:$0x10400] =	vst v63  }
0x1b1: {  	s14 =	simm.s32 $0xAC00  }
0x1b2: {  	[tilespmem:s14], [sflag:$0x6] =	stream.indirect_vreg.gather [hbm4b:s5+s3], $0x80, v2, vm0, $0xb8;
	[tilespmem:$0x10400] =	vst v63  }
0x1b3: {  	s18 =	simm.s32 $0xB400  }
0x1b4: {  	[tilespmem:s18], [sflag:$0x6] =	stream.indirect_vreg.gather [hbm4b:s6+s3], $0x80, v2, vm0, $0xb8;
	[tilespmem:$0x10400] =	vst v63  }
0x1b5: {  	s18 =	simm.s32 $0xBC00  }
0x1b6: {  	[tilespmem:s18], [sflag:$0x6] =	stream.indirect_vreg.gather [hbm4b:s8+s3], $0x80, v2, vm0, $0xb8;
	[tilespmem:$0x10400] =	vst v63  }
0x1b7: {  	_ =	swait.ge [sflag:s28], $0x2000  }
0x1b8: {  	[sflag:s28] =	ssyncset.done $0x0  }
0x1b9: {  	s26 =	sadd.s32 $0x3C00, s26;
	[sflag:s28] =	ssyncadd.s32 $0xFFFFE000  }
0x1ba: {  	[hbm4b:s26+s3] =	stream.linear.scatter [tilespmem:s16], [sflag:$0x10], $0x2000, $0x38;
	[tilespmem:$0x10400] =	vst v63  }
0x1bb: {  	_ =	swait.ge [sflag:s29], $0x2000  }
0x1bc: {  	[sflag:s29] =	ssyncset.done $0x0  }
0x1bd: {  	[sflag:s29] =	ssyncadd.s32 $0xFFFFE000  }
0x1be: {  	v2 =	vld.msk [tilespmem:s4+$0x0], $0xff;
	_ =	sdelay $0x4  }
0x1bf: {  	v3 =	vshll.u32 v2, $0x3  }
0x1c0: {  	v2 =	vand.u32 $0x7, v2;
	v3 =	vand.u32 $0xFFFFFFC0, v3  }
0x1c1: {  	v2 =	vor.u32 v2, v3  }
0x1c2: {  	v2 =	vperm.xlane v2, v0;
	_ =	sdelay $0x1  }
0x1c3: {  	v2 =	vadd.s32 v1, v2;
	_ =	sdelay $0x3  }
0x1c4: {  	p0 =	sne.s32 s10, $0x1A000;
	s10 =	sadd.s32 $0x2000, s10  }
0x1c5: {  	[tilespmem:s15], [sflag:$0x7] =	stream.indirect_vreg.gather [hbm4b:s2+s3], $0x80, v2, vm0, $0xb8;
	[tilespmem:$0x10400] =	vst v63  }
0x1c6: {  	s9 =	simm.s32 $0x400;
	s7 =	simm.s32 $0x2400;
	s15 =	simm.s32 $0xCC00  }
0x1c7: {  	[tilespmem:s15], [sflag:$0x7] =	stream.indirect_vreg.gather [hbm4b:s5+s3], $0x80, v2, vm0, $0xb8;
	[tilespmem:$0x10400] =	vst v63  }
.Ltmp0:
0x1c8: {  	s21 =	simm.s32 $0x4400;
	s11 =	simm.s32 $0x8400;
	(pc) =	sbr.rel @p0 .LBB2_2-.Ltmp0, $4  }
0x1c9: {  	s17 =	simm.s32 $0x6400;
	s31 =	simm.s32 $0xA400;
	s18 =	simm.s32 $0xD400  }
0x1ca: {  	[tilespmem:s18], [sflag:$0x7] =	stream.indirect_vreg.gather [hbm4b:s6+s3], $0x80, v2, vm0, $0xb8;
	[tilespmem:$0x10400] =	vst v63  }
0x1cb: {  	s26 =	simm.s32 $0xC400;
	s4 =	sadd.s32 $0x40, s4;
	s18 =	simm.s32 $0xDC00  }
0x1cc: {  	[tilespmem:s18], [sflag:$0x7] =	stream.indirect_vreg.gather [hbm4b:s8+s3], $0x80, v2, vm0, $0xb8;
	[tilespmem:$0x10400] =	vst v63  }
0x1cd: {  	s4 =	simm.s32 $0x1  }
0x1ce: {  	_ =	swait.ge [sflag:s4], $0x2000  }
0x1cf: {  	[sflag:s4] =	ssyncset.done $0x0  }
0x1d0: {  	s10 =	rddreg [dreg:$0xe];
	[sflag:s4] =	ssyncadd.s32 $0xFFFFE000  }
0x1d1: {  	[hbm4b:s10+s3] =	stream.linear.scatter [tilespmem:s9], [sflag:$0x9], $0x2000, $0x38;
	[tilespmem:$0x10400] =	vst v63  }
0x1d2: {  	_ =	swait.ge [sflag:s0], $0x2000  }
0x1d3: {  	[sflag:s0] =	ssyncset.done $0x0  }
0x1d4: {  	[sflag:s0] =	ssyncadd.s32 $0xFFFFE000  }
0x1d5: {  	v2 =	vld.msk [tilespmem:$0x3F8], $0xff;
	_ =	sdelay $0x4  }
0x1d6: {  	v3 =	vshll.u32 v2, $0x3  }
0x1d7: {  	v2 =	vand.u32 $0x7, v2;
	v3 =	vand.u32 $0xFFFFFFC0, v3  }
0x1d8: {  	v2 =	vor.u32 v2, v3  }
0x1d9: {  	v2 =	vperm.xlane v2, v0;
	_ =	sdelay $0x1  }
0x1da: {  	v2 =	vadd.s32 v1, v2;
	_ =	sdelay $0x3  }
0x1db: {  	s9 =	simm.s32 $0xE400  }
0x1dc: {  	[tilespmem:s9], [sflag:$0x8] =	stream.indirect_vreg.gather [hbm4b:s2+s3], $0x80, v2, vm0, $0xb8;
	[tilespmem:$0x10400] =	vst v63  }
0x1dd: {  	s16 =	simm.s32 $0xEC00  }
0x1de: {  	[tilespmem:s16], [sflag:$0x8] =	stream.indirect_vreg.gather [hbm4b:s5+s3], $0x80, v2, vm0, $0xb8;
	[tilespmem:$0x10400] =	vst v63  }
0x1df: {  	s18 =	simm.s32 $0xF400  }
0x1e0: {  	[tilespmem:s18], [sflag:$0x8] =	stream.indirect_vreg.gather [hbm4b:s6+s3], $0x80, v2, vm0, $0xb8;
	[tilespmem:$0x10400] =	vst v63  }
0x1e1: {  	s10 =	simm.s32 $0xFC00;
	s16 =	simm.s32 $0x2  }
0x1e2: {  	[tilespmem:s10], [sflag:$0x8] =	stream.indirect_vreg.gather [hbm4b:s8+s3], $0x80, v2, vm0, $0xb8;
	[tilespmem:$0x10400] =	vst v63  }
0x1e3: {  	_ =	swait.ge [sflag:s16], $0x2000  }
0x1e4: {  	[sflag:s16] =	ssyncset.done $0x0  }
0x1e5: {  	s10 =	simm.s32 $0x3;
	s18 =	rddreg [dreg:$0xf];
	[sflag:s16] =	ssyncadd.s32 $0xFFFFE000  }
0x1e6: {  	[hbm4b:s18+s3] =	stream.linear.scatter [tilespmem:s7], [sflag:$0xA], $0x2000, $0x38;
	[tilespmem:$0x10400] =	vst v63  }
0x1e7: {  	_ =	swait.ge [sflag:s10], $0x2000  }
0x1e8: {  	[sflag:s10] =	ssyncset.done $0x0  }
0x1e9: {  	s18 =	simm.s32 $0x4;
	s16 =	rddreg [dreg:$0x10];
	[sflag:s10] =	ssyncadd.s32 $0xFFFFE000  }
0x1ea: {  	[hbm4b:s16+s3] =	stream.linear.scatter [tilespmem:s21], [sflag:$0xB], $0x2000, $0x38;
	[tilespmem:$0x10400] =	vst v63  }
0x1eb: {  	_ =	swait.ge [sflag:s18], $0x2000  }
0x1ec: {  	[sflag:s18] =	ssyncset.done $0x0  }
0x1ed: {  	s21 =	rddreg [dreg:$0x11];
	[sflag:s18] =	ssyncadd.s32 $0xFFFFE000  }
0x1ee: {  	[hbm4b:s21+s3] =	stream.linear.scatter [tilespmem:s17], [sflag:$0xC], $0x2000, $0x38;
	[tilespmem:$0x10400] =	vst v63  }
0x1ef: {  	_ =	swait.ge [sflag:s19], $0x2000  }
0x1f0: {  	[sflag:s19] =	ssyncset.done $0x0  }
0x1f1: {  	s7 =	rddreg [dreg:$0x12];
	[sflag:s19] =	ssyncadd.s32 $0xFFFFE000  }
0x1f2: {  	[hbm4b:s7+s3] =	stream.linear.scatter [tilespmem:s11], [sflag:$0xD], $0x2000, $0x38;
	[tilespmem:$0x10400] =	vst v63  }
0x1f3: {  	_ =	swait.ge [sflag:s22], $0x2000  }
0x1f4: {  	[sflag:s22] =	ssyncset.done $0x0  }
0x1f5: {  	s10 =	rddreg [dreg:$0x13];
	[sflag:s22] =	ssyncadd.s32 $0xFFFFE000  }
0x1f6: {  	[hbm4b:s10+s3] =	stream.linear.scatter [tilespmem:s31], [sflag:$0xE], $0x2000, $0x38;
	[tilespmem:$0x10400] =	vst v63  }
0x1f7: {  	_ =	swait.ge [sflag:s24], $0x2000  }
0x1f8: {  	[sflag:s24] =	ssyncset.done $0x0  }
0x1f9: {  	s11 =	rddreg [dreg:$0x14];
	[sflag:s24] =	ssyncadd.s32 $0xFFFFE000  }
0x1fa: {  	[hbm4b:s11+s3] =	stream.linear.scatter [tilespmem:s26], [sflag:$0xF], $0x2000, $0x38;
	[tilespmem:$0x10400] =	vst v63  }
0x1fb: {  	_ =	swait.ge [sflag:s28], $0x2000  }
0x1fc: {  	[sflag:s28] =	ssyncset.done $0x0  }
0x1fd: {  	s17 =	simm.s32 $0x9;
	s16 =	rddreg [dreg:$0x15];
	[sflag:s28] =	ssyncadd.s32 $0xFFFFE000  }
0x1fe: {  	[hbm4b:s16+s3] =	stream.linear.scatter [tilespmem:s9], [sflag:$0x10], $0x2000, $0x38;
	[tilespmem:$0x10400] =	vst v63  }
0x1ff: {  	_ =	swait.ge [sflag:s17], $0x2000  }
0x200: {  	[sflag:s17] =	ssyncset.done $0x0  }
0x201: {  	s18 =	simm.s32 $0xA;
	[sflag:s17] =	ssyncadd.s32 $0xFFFFE000  }
0x202: {  	_ =	swait.ge [sflag:s18], $0x2000  }
0x203: {  	[sflag:s18] =	ssyncset.done $0x0  }
0x204: {  	s21 =	simm.s32 $0xB;
	[sflag:s18] =	ssyncadd.s32 $0xFFFFE000  }
0x205: {  	_ =	swait.ge [sflag:s21], $0x2000  }
0x206: {  	[sflag:s21] =	ssyncset.done $0x0  }
0x207: {  	[sflag:s21] =	ssyncadd.s32 $0xFFFFE000  }
0x208: {  	_ =	swait.ge [sflag:s20], $0x2000  }
0x209: {  	[sflag:s20] =	ssyncset.done $0x0  }
0x20a: {  	[sflag:s20] =	ssyncadd.s32 $0xFFFFE000  }
0x20b: {  	_ =	swait.ge [sflag:s23], $0x2000  }
0x20c: {  	[sflag:s23] =	ssyncset.done $0x0  }
0x20d: {  	[sflag:s23] =	ssyncadd.s32 $0xFFFFE000  }
0x20e: {  	_ =	swait.ge [sflag:s25], $0x2000  }
0x20f: {  	[sflag:s25] =	ssyncset.done $0x0  }
0x210: {  	[sflag:s25] =	ssyncadd.s32 $0xFFFFE000  }
0x211: {  	_ =	swait.ge [sflag:s29], $0x2000  }
0x212: {  	[sflag:s29] =	ssyncset.done $0x0  }
0x213: {  	[sflag:s29] =	ssyncadd.s32 $0xFFFFE000  }
0x214: {  	_ =	swait.ge [sflag:s0], $0x2000  }
0x215: {  	s26 =	rddreg [dreg:$0x17]  }
0x216: {  	s31 =	rddreg [dreg:$0x16];
	s7 =	sadd.s32 $0x1, s26  }
0x217: {  	p0 =	sne.s32 s7, s31  }
.Ltmp1:
0x218: {  	_ = 	snop;
	(pc) =	sbr.rel @p0 .LBB2_1-.Ltmp1, $4  }
0x219: {  	_ = 	snop  }
0x21a: {  	s10 =	simm.s32 $0x1400  }
0x21b: {  	s11 =	simm.s32 $0x9400;
	s17 =	simm.s32 $0x1C00;
	[sflag:s0] =	ssyncset.done $0x0  }
0x21c: {  	s21 =	simm.s32 $0x3400;
	[sflag:s0] =	ssyncadd.s32 $0xFFFFE000;
	s26 =	simm.s32 $0x3C00  }
0x21d: {  	_ =	sfence.sel $0x180000  }
0x21e: {  	[bflag:$0x0] =	sbarrier.arrive $0xFFFF  }
0x21f: {  	_ =	strace $0x90000047  }
0x220: {  	s0 =	stileid.u32;
	[bflag:$0x2] =	sbarrier.arrive $0xFFFF  }
0x221: {  	p0 =	sne.s32 s0, $0x0;
	s0 =	rddreg [dreg:$0x3]  }
0x222: {  	s0 =	sadd.s32 @!p0 $0x100000, s0  }
0x223: {  	[sflag:s0] =	ssyncadd.tile.s32 @!p0 $0x1;
	_ =	shalt  }
.Lfunc_end2:
_tile_overlayer_lowered:
.L_overlay_start_2:
0x224: {  	(tag) =	ssettag $0x2  }
0x225: {  	s0 =	rddreg [dreg:$0x0];
	s2 =	stileid.u32  }
0x226: {  	s1 =	rddreg [dreg:$0x1];
	p0 =	sne.s32 s2, $0x0  }
0x227: {  	s3 =	rddreg [dreg:$0x2];
	[bflag:$0x3] =	sbarrier.arrive $0xFFFF;
	s2 =	simm.s32 @!p0 $0x1C11  }
0x228: {  	[timem:s3], [sflag:s2] =	dma.local @!p0 [hbm:s0], s1  }
0x229: {  	s0 =	simm.s32 @!p0 $0x11  }
0x22a: {  	_ =	swait.ge @!p0 [sflag:s0], s1  }
0x22b: {  	s1 =	ssub.s32 @!p0 $0x0, s1;
	[sflag:s0] =	ssyncset.done @!p0 $0x0  }
0x22c: {  	[sflag:s0] =	ssyncadd.s32 @!p0 s1  }
0x22d: {  	[bflag:$0x3] =	sbarrier.arrive $0xFFFF  }
0x22e: {  	_ =	shalt  }

</sc_bundles>
